<compile_context>
chip_gen: v7x
topology: tpu7x:2x2x1
jax: 0.10.2.dev20260603
libtpu: 0.0.44.dev20260713+nightly
codegen_flags: <defaults>
</compile_context>

<pallas_src>
import functools

import jax
import jax.numpy as jnp
from jax import lax
from jax.experimental import pallas as pl
from jax.experimental.pallas import tpu as pltpu
from jax.experimental.pallas import tpu_sc as plsc

N = 10000
E = 320000
D = 128
H = 256
O = 128

NPAD = 10240
DUMMY = NPAD
SROWS = 10368
ZR = SROWS // 16
WR = NPAD // 16
CROWS = 10496
CW = 8
CR8 = CROWS * CW // 16
C = 64
NB = 4
EPAD = 327680
G1 = EPAD // (32 * C)
G2 = EPAD // (16 * C)
BN = 512



def _agg1_body(x_hbm, src_hbm, dst_hbm, d8_hbm, z128_hbm, zc_hbm, ones_hbm,
               sum_out, cnt_out, *refs):
    srcs = refs[0:NB]
    dsts = refs[NB:2 * NB]
    d8s = refs[2 * NB:3 * NB]
    rows = refs[3 * NB:4 * NB]
    ones_v = refs[4 * NB]
    bounce = refs[4 * NB + 1]
    sum_sh = refs[4 * NB + 2]
    cnt_sh = refs[4 * NB + 3]
    isems = refs[4 * NB + 4:4 * NB + 4 + NB]
    gsems = refs[4 * NB + 4 + NB:4 * NB + 4 + 2 * NB]
    c = lax.axis_index("c")
    s = lax.axis_index("s")
    wid = s * 2 + c
    eb = wid * (G1 * C)
    pltpu.sync_copy(z128_hbm, sum_sh.at[pl.ds(s * ZR, ZR)])
    pltpu.sync_copy(zc_hbm, bounce)
    pltpu.sync_copy(bounce, cnt_sh.at[pl.ds(s * CR8, CR8)])
    pltpu.sync_copy(ones_hbm, ones_v)
    plsc.subcore_barrier()

    def idx_dma(g, b):
        pltpu.async_copy(src_hbm.at[pl.ds(eb + g * C, C)], srcs[b], isems[b])
        pltpu.async_copy(dst_hbm.at[pl.ds(eb + g * C, C)], dsts[b], isems[b])
        pltpu.async_copy(d8_hbm.at[pl.ds(eb + g * C, C)], d8s[b], isems[b])

    def idx_wait(g, b):
        pltpu.make_async_copy(
            src_hbm.at[pl.ds(eb + g * C, C)], srcs[b], isems[b]).wait()
        pltpu.make_async_copy(
            dst_hbm.at[pl.ds(eb + g * C, C)], dsts[b], isems[b]).wait()
        pltpu.make_async_copy(
            d8_hbm.at[pl.ds(eb + g * C, C)], d8s[b], isems[b]).wait()

    for b in range(NB):
        idx_dma(b, b)
    for b in range(NB - 1):
        idx_wait(b, b)
        pltpu.async_copy(x_hbm.at[srcs[b]], rows[b], gsems[b])

    def body(go, carry):
        for b in range(NB):
            g = go * NB + b
            bp = (b + NB - 1) % NB

            @pl.when(g + NB - 1 < G1)
            def _fire():
                idx_wait(g + NB - 1, bp)
                pltpu.async_copy(x_hbm.at[srcs[bp]], rows[bp], gsems[bp])

            pltpu.make_async_copy(x_hbm.at[srcs[b]], rows[b], gsems[b]).wait()
            pltpu.sync_copy(rows[b], sum_sh.at[dsts[b]], add=True)
            pltpu.sync_copy(ones_v, cnt_sh.at[d8s[b]], add=True)

            @pl.when(g + NB < G1)
            def _pre():
                idx_dma(g + NB, b)

        return carry

    lax.fori_loop(0, G1 // NB, body, 0)
    plsc.subcore_barrier()
    pltpu.sync_copy(sum_sh.at[pl.ds(s * WR, WR)],
                    sum_out.at[pl.ds(c * NPAD + s * WR, WR)])
    pltpu.sync_copy(cnt_sh.at[pl.ds(s * CR8, CR8)], bounce)
    pltpu.sync_copy(bounce, cnt_out.at[pl.ds(c * CROWS * CW + s * CR8, CR8)])


_agg1 = functools.partial(
    pl.kernel,
    mesh=plsc.VectorSubcoreMesh(core_axis_name="c", subcore_axis_name="s"),
    out_type=[
        jax.ShapeDtypeStruct((2 * NPAD, 128), jnp.float32),
        jax.ShapeDtypeStruct((2 * CROWS * CW,), jnp.float32),
    ],
    scratch_types=(
        [pltpu.VMEM((C,), jnp.int32)] * (3 * NB)
        + [pltpu.VMEM((C, 128), jnp.float32)] * NB
        + [pltpu.VMEM((C,), jnp.float32),
           pltpu.VMEM((CR8,), jnp.float32),
           pltpu.VMEM_SHARED((SROWS, 128), jnp.float32),
           pltpu.VMEM_SHARED((CROWS * CW,), jnp.float32)]
        + [pltpu.SemaphoreType.DMA] * (2 * NB)
    ),
)(_agg1_body)


def _agg2_body(htab_hbm, src2_hbm, dst_hbm, z128_hbm,
               sum_out, *refs):
    srcs = refs[0:NB]
    dsts = refs[NB:2 * NB]
    rows = refs[2 * NB:3 * NB]
    sum_sh = refs[3 * NB]
    isems = refs[3 * NB + 1:3 * NB + 1 + NB]
    gsems = refs[3 * NB + 1 + NB:3 * NB + 1 + 2 * NB]
    c = lax.axis_index("c")
    s = lax.axis_index("s")
    sb = c * EPAD + s * (G2 * C)
    db = s * (G2 * C)
    pltpu.sync_copy(z128_hbm, sum_sh.at[pl.ds(s * ZR, ZR)])
    plsc.subcore_barrier()

    def idx_dma(g, b):
        pltpu.async_copy(src2_hbm.at[pl.ds(sb + g * C, C)], srcs[b], isems[b])
        pltpu.async_copy(dst_hbm.at[pl.ds(db + g * C, C)], dsts[b], isems[b])

    def idx_wait(g, b):
        pltpu.make_async_copy(
            src2_hbm.at[pl.ds(sb + g * C, C)], srcs[b], isems[b]).wait()
        pltpu.make_async_copy(
            dst_hbm.at[pl.ds(db + g * C, C)], dsts[b], isems[b]).wait()

    for b in range(NB):
        idx_dma(b, b)
    for b in range(NB - 1):
        idx_wait(b, b)
        pltpu.async_copy(htab_hbm.at[srcs[b]], rows[b], gsems[b])

    def body(go, carry):
        for b in range(NB):
            g = go * NB + b
            bp = (b + NB - 1) % NB

            @pl.when(g + NB - 1 < G2)
            def _fire():
                idx_wait(g + NB - 1, bp)
                pltpu.async_copy(htab_hbm.at[srcs[bp]], rows[bp], gsems[bp])

            pltpu.make_async_copy(htab_hbm.at[srcs[b]], rows[b],
                                  gsems[b]).wait()
            pltpu.sync_copy(rows[b], sum_sh.at[dsts[b]], add=True)

            @pl.when(g + NB < G2)
            def _pre():
                idx_dma(g + NB, b)

        return carry

    lax.fori_loop(0, G2 // NB, body, 0)
    plsc.subcore_barrier()
    pltpu.sync_copy(sum_sh.at[pl.ds(s * WR, WR)],
                    sum_out.at[pl.ds(c * NPAD + s * WR, WR)])


_agg2 = functools.partial(
    pl.kernel,
    mesh=plsc.VectorSubcoreMesh(core_axis_name="c", subcore_axis_name="s"),
    out_type=jax.ShapeDtypeStruct((2 * NPAD, 128), jnp.float32),
    scratch_types=(
        [pltpu.VMEM((C,), jnp.int32)] * (2 * NB)
        + [pltpu.VMEM((C, 128), jnp.float32)] * NB
        + [pltpu.VMEM_SHARED((SROWS, 128), jnp.float32)]
        + [pltpu.SemaphoreType.DMA] * (2 * NB)
    ),
)(_agg2_body)



def _tc1_body(s_ref, c_ref, x_ref, wl_ref, wr_ref, b_ref, o_ref):
    cnt = c_ref[0][:, :1] + c_ref[1][:, :1]
    rc = 1.0 / jnp.maximum(cnt, 1.0)
    aggr = (s_ref[0] + s_ref[1]) * rc
    z = (jnp.dot(aggr, wl_ref[...], preferred_element_type=jnp.float32)
         + jnp.dot(x_ref[...], wr_ref[...], preferred_element_type=jnp.float32)
         + b_ref[...])
    h = jnp.maximum(z, 0.0)
    o_ref[0] = h[:, :128]
    o_ref[1] = h[:, 128:]


def _tc2_body(s_ref, c_ref, h_ref, w2l_ref, w2r_ref, b2_ref,
              wlin_ref, blin_ref, o_ref):
    cnt = c_ref[0][:, :1] + c_ref[1][:, :1]
    rc = 1.0 / jnp.maximum(cnt, 1.0)
    z = (jnp.dot(s_ref[0] * rc, w2l_ref[:128], preferred_element_type=jnp.float32)
         + jnp.dot(s_ref[1] * rc, w2l_ref[128:], preferred_element_type=jnp.float32)
         + jnp.dot(h_ref[0], w2r_ref[:128], preferred_element_type=jnp.float32)
         + jnp.dot(h_ref[1], w2r_ref[128:], preferred_element_type=jnp.float32)
         + b2_ref[...])
    hh = jnp.maximum(z, 0.0)
    o_ref[...] = (jnp.dot(hh, wlin_ref[...], preferred_element_type=jnp.float32)
                  + blin_ref[...])


def _tc1(sum1, cnt, x_pad, W1l, W1r, b1):
    return pl.pallas_call(
        _tc1_body,
        grid=(NPAD // BN,),
        in_specs=[
            pl.BlockSpec((2, BN, 128), lambda i: (0, i, 0)),
            pl.BlockSpec((2, BN, CW), lambda i: (0, i, 0)),
            pl.BlockSpec((BN, 128), lambda i: (i, 0)),
            pl.BlockSpec((128, 256), lambda i: (0, 0)),
            pl.BlockSpec((128, 256), lambda i: (0, 0)),
            pl.BlockSpec((1, 256), lambda i: (0, 0)),
        ],
        out_specs=pl.BlockSpec((2, BN, 128), lambda i: (0, i, 0)),
        out_shape=jax.ShapeDtypeStruct((2, NPAD, 128), jnp.float32),
    )(sum1, cnt, x_pad, W1l, W1r, b1)


def _tc2(sum2, cnt, htab, W2l, W2r, b2, Wlin, blin):
    return pl.pallas_call(
        _tc2_body,
        grid=(NPAD // BN,),
        in_specs=[
            pl.BlockSpec((2, BN, 128), lambda i: (0, i, 0)),
            pl.BlockSpec((2, BN, CW), lambda i: (0, i, 0)),
            pl.BlockSpec((2, BN, 128), lambda i: (0, i, 0)),
            pl.BlockSpec((256, 256), lambda i: (0, 0)),
            pl.BlockSpec((256, 256), lambda i: (0, 0)),
            pl.BlockSpec((1, 256), lambda i: (0, 0)),
            pl.BlockSpec((256, 128), lambda i: (0, 0)),
            pl.BlockSpec((1, 128), lambda i: (0, 0)),
        ],
        out_specs=pl.BlockSpec((BN, 128), lambda i: (i, 0)),
        out_shape=jax.ShapeDtypeStruct((NPAD, 128), jnp.float32),
    )(sum2, cnt, htab, W2l, W2r, b2, Wlin, blin)



def kernel(x, edge_index, W1l, b1, W1r, W2l, b2, W2r, Wlin, blin):
    src = edge_index[0].astype(jnp.int32)
    dst = edge_index[1].astype(jnp.int32)
    srcp = jnp.concatenate([src, jnp.zeros((EPAD - E,), jnp.int32)])
    dstp = jnp.concatenate([dst, jnp.full((EPAD - E,), DUMMY, jnp.int32)])
    src2 = jnp.concatenate([srcp, srcp + NPAD])
    d8p = dstp * CW
    x_pad = jnp.pad(x, ((0, NPAD - N), (0, 0)))
    z128 = jnp.zeros((ZR, 128), jnp.float32)
    zc = jnp.zeros((CR8,), jnp.float32)
    ones = jnp.ones((C,), jnp.float32)

    sum1, cnt = _agg1(x_pad, srcp, dstp, d8p, z128, zc, ones)
    sum1 = sum1.reshape(2, NPAD, 128)
    cnt = cnt.reshape(2, CROWS, CW)

    htab = _tc1(sum1, cnt, x_pad, W1l, W1r, b1.reshape(1, H))

    sum2 = _agg2(htab.reshape(2 * NPAD, 128), src2, dstp, z128)
    sum2 = sum2.reshape(2, NPAD, 128)

    out = _tc2(sum2, cnt, htab, W2l, W2r, b2.reshape(1, H),
               Wlin, blin.reshape(1, O))
    return out[:N]

# --- scband reference (transcript-rebuilt; emitter-appended) ---
"""Pipeline reference for scband-base-sage-56504589746239 (READ-ONLY COPY).

The authoritative reference and input builder live on the scoring server;
editing this copy changes nothing except your own understanding.
"""

import jax, jax.numpy as jnp
import numpy as np

N = 10000
E = 320000
D = 128
H = 256
O = 128


def setup_inputs(seed: int = 0) -> dict:
    key = jax.random.key(seed)
    ks = jax.random.split(key, 12)
    x = jax.random.normal(ks[0], (N, D), dtype=jnp.float32)
    edge_index = jax.random.randint(ks[1], (2, E), 0, N, dtype=jnp.int64)
    s1 = 1.0 / np.sqrt(D)
    s2 = 1.0 / np.sqrt(H)
    W1l = jax.random.uniform(ks[2], (D, H), jnp.float32, -s1, s1)
    W1r = jax.random.uniform(ks[3], (D, H), jnp.float32, -s1, s1)
    b1 = jax.random.uniform(ks[4], (H,), jnp.float32, -s1, s1)
    W2l = jax.random.uniform(ks[5], (H, H), jnp.float32, -s2, s2)
    W2r = jax.random.uniform(ks[6], (H, H), jnp.float32, -s2, s2)
    b2 = jax.random.uniform(ks[7], (H,), jnp.float32, -s2, s2)
    Wlin = jax.random.uniform(ks[8], (H, O), jnp.float32, -s2, s2)
    blin = jax.random.uniform(ks[9], (O,), jnp.float32, -s2, s2)
    return {"x": x, "edge_index": edge_index, "W1l": W1l, "b1": b1, "W1r": W1r,
            "W2l": W2l, "b2": b2, "W2r": W2r, "Wlin": Wlin, "blin": blin}


def _sage_conv(x, edge_index, Wl, bl, Wr):
    # PyG SAGEConv (mean aggr): out = lin_l(mean_{j in N(i)} x_j) + lin_r(x_i)
    src = edge_index[0]
    dst = edge_index[1]
    msg = jnp.take(x, src, axis=0)
    summed = jax.ops.segment_sum(msg, dst, num_segments=x.shape[0])
    cnt = jax.ops.segment_sum(jnp.ones((edge_index.shape[1],), x.dtype), dst,
                              num_segments=x.shape[0])
    aggr = summed / jnp.clip(cnt, 1.0, None)[:, None]
    return aggr @ Wl + bl + x @ Wr


def reference(x, edge_index, W1l, b1, W1r, W2l, b2, W2r, Wlin, blin):
    h = _sage_conv(x, edge_index, W1l, b1, W1r)
    h = jax.nn.relu(h)
    # dropout p=0.0 -> identity
    h = _sage_conv(h, edge_index, W2l, b2, W2r)
    h = jax.nn.relu(h)
    return h @ Wlin + blin

if __name__ == "__main__":
    import jax
    _d = setup_inputs()
    print(jax.jit(kernel)(*tuple(_d.values())))

</pallas_src>

<mosaic_0001>
#map = affine_map<(d0, d1) -> (0, 0)>
#map1 = affine_map<(d0, d1) -> (0)>
module attributes {stable_mosaic.version = 14 : i64} {
  func.func @_agg1_body(%arg0: i32, %arg1: i32, %arg2: memref<10240x128xf32, #tpu.memory_space<hbm>>, %arg3: memref<327680xi32, #tpu.memory_space<hbm>>, %arg4: memref<327680xi32, #tpu.memory_space<hbm>>, %arg5: memref<327680xi32, #tpu.memory_space<hbm>>, %arg6: memref<648x128xf32, #tpu.memory_space<hbm>>, %arg7: memref<5248xf32, #tpu.memory_space<hbm>>, %arg8: memref<64xf32, #tpu.memory_space<hbm>>, %arg9: memref<20480x128xf32, #tpu.memory_space<hbm>>, %arg10: memref<167936xf32, #tpu.memory_space<hbm>>, %arg11: memref<64xi32, #tpu.memory_space<vmem>>, %arg12: memref<64xi32, #tpu.memory_space<vmem>>, %arg13: memref<64xi32, #tpu.memory_space<vmem>>, %arg14: memref<64xi32, #tpu.memory_space<vmem>>, %arg15: memref<64xi32, #tpu.memory_space<vmem>>, %arg16: memref<64xi32, #tpu.memory_space<vmem>>, %arg17: memref<64xi32, #tpu.memory_space<vmem>>, %arg18: memref<64xi32, #tpu.memory_space<vmem>>, %arg19: memref<64xi32, #tpu.memory_space<vmem>>, %arg20: memref<64xi32, #tpu.memory_space<vmem>>, %arg21: memref<64xi32, #tpu.memory_space<vmem>>, %arg22: memref<64xi32, #tpu.memory_space<vmem>>, %arg23: memref<64x128xf32, #tpu.memory_space<vmem>>, %arg24: memref<64x128xf32, #tpu.memory_space<vmem>>, %arg25: memref<64x128xf32, #tpu.memory_space<vmem>>, %arg26: memref<64x128xf32, #tpu.memory_space<vmem>>, %arg27: memref<64xf32, #tpu.memory_space<vmem>>, %arg28: memref<5248xf32, #tpu.memory_space<vmem>>, %arg29: memref<10368x128xf32, #tpu.memory_space<vmem_shared>>, %arg30: memref<83968xf32, #tpu.memory_space<vmem_shared>>, %arg31: memref<!tpu.dma_semaphore, #tpu.memory_space<semaphore_mem>>, %arg32: memref<!tpu.dma_semaphore, #tpu.memory_space<semaphore_mem>>, %arg33: memref<!tpu.dma_semaphore, #tpu.memory_space<semaphore_mem>>, %arg34: memref<!tpu.dma_semaphore, #tpu.memory_space<semaphore_mem>>, %arg35: memref<!tpu.dma_semaphore, #tpu.memory_space<semaphore_mem>>, %arg36: memref<!tpu.dma_semaphore, #tpu.memory_space<semaphore_mem>>, %arg37: memref<!tpu.dma_semaphore, #tpu.memory_space<semaphore_mem>>, %arg38: memref<!tpu.dma_semaphore, #tpu.memory_space<semaphore_mem>>) attributes {dimension_semantics = [#tpu.dimension_semantics<core_parallel>, #tpu.dimension_semantics<subcore_parallel>], iteration_bounds = array<i64: 2, 16>, scalar_prefetch = 0 : i64, scratch_operands = 28 : i64, tpu.core_type = #tpu.core_type<sc_vector_subcore>, window_params = [{transform_indices = #map}, {transform_indices = #map1}, {transform_indices = #map1}, {transform_indices = #map1}, {transform_indices = #map}, {transform_indices = #map1}, {transform_indices = #map1}, {transform_indices = #map}, {transform_indices = #map1}]} {
    %mul3A = arith.constant 2 : i32
    %mul3A_0 = arith.muli %arg1, %mul3A : i32
    %add3A = arith.addi %mul3A_0, %arg0 : i32
    %mul3A_1 = arith.constant 10240 : i32
    %mul3A_2 = arith.muli %add3A, %mul3A_1 : i32
    %mul3A_3 = arith.constant 648 : i32
    %mul3A_4 = arith.muli %arg1, %mul3A_3 : i32
    "tpu.region"() ({
      %run_scoped3A = tpu.sem_alloc : memref<!tpu.dma_semaphore, #tpu.memory_space<semaphore_mem>>
      %dma_start3A_120 = arith.constant 0 : i32
      %dma_start3A_121 = tpu.memref_slice %arg29[%mul3A_4, %dma_start3A_120] : memref<10368x128xf32, #tpu.memory_space<vmem_shared>> -> memref<648x128xf32, #tpu.memory_space<vmem_shared>>
      tpu.enqueue_dma source(%arg6 : memref<648x128xf32, #tpu.memory_space<hbm>>) target(%dma_start3A_121 : memref<648x128xf32, #tpu.memory_space<vmem_shared>>) target_semaphore(%run_scoped3A : memref<!tpu.dma_semaphore, #tpu.memory_space<semaphore_mem>>)
      %dma_wait3A_122 = arith.constant 0 : i32
      %dma_wait3A_123 = tpu.memref_slice %arg29[%mul3A_4, %dma_wait3A_122] : memref<10368x128xf32, #tpu.memory_space<vmem_shared>> -> memref<648x128xf32, #tpu.memory_space<vmem_shared>>
      tpu.wait_dma2 semaphore(%run_scoped3A : memref<!tpu.dma_semaphore, #tpu.memory_space<semaphore_mem>>) src(%arg6 : memref<648x128xf32, #tpu.memory_space<hbm>>) dst(%dma_wait3A_123 : memref<648x128xf32, #tpu.memory_space<vmem_shared>>)
      tpu.yield
    }) : () -> ()
    "tpu.region"() ({
      %run_scoped3A = tpu.sem_alloc : memref<!tpu.dma_semaphore, #tpu.memory_space<semaphore_mem>>
      tpu.enqueue_dma source(%arg7 : memref<5248xf32, #tpu.memory_space<hbm>>) target(%arg28 : memref<5248xf32, #tpu.memory_space<vmem>>) target_semaphore(%run_scoped3A : memref<!tpu.dma_semaphore, #tpu.memory_space<semaphore_mem>>)
      tpu.wait_dma2 semaphore(%run_scoped3A : memref<!tpu.dma_semaphore, #tpu.memory_space<semaphore_mem>>) src(%arg7 : memref<5248xf32, #tpu.memory_space<hbm>>) dst(%arg28 : memref<5248xf32, #tpu.memory_space<vmem>>)
      tpu.yield
    }) : () -> ()
    %mul3A_5 = arith.constant 5248 : i32
    %mul3A_6 = arith.muli %arg1, %mul3A_5 : i32
    "tpu.region"() ({
      %run_scoped3A = tpu.sem_alloc : memref<!tpu.dma_semaphore, #tpu.memory_space<semaphore_mem>>
      %dma_start3A_120 = tpu.memref_slice %arg30[%mul3A_6] : memref<83968xf32, #tpu.memory_space<vmem_shared>> -> memref<5248xf32, #tpu.memory_space<vmem_shared>>
      %dma_start3A_121 = tpu.memref_slice %arg30[%mul3A_6] : memref<83968xf32, #tpu.memory_space<vmem_shared>> -> memref<5248xf32, #tpu.memory_space<vmem_shared>>
      tpu.enqueue_dma source(%arg28 : memref<5248xf32, #tpu.memory_space<vmem>>) target(%dma_start3A_121 : memref<5248xf32, #tpu.memory_space<vmem_shared>>) target_semaphore(%run_scoped3A : memref<!tpu.dma_semaphore, #tpu.memory_space<semaphore_mem>>)
      %dma_wait3A_122 = tpu.memref_slice %arg30[%mul3A_6] : memref<83968xf32, #tpu.memory_space<vmem_shared>> -> memref<5248xf32, #tpu.memory_space<vmem_shared>>
      %dma_wait3A_123 = tpu.memref_slice %arg30[%mul3A_6] : memref<83968xf32, #tpu.memory_space<vmem_shared>> -> memref<5248xf32, #tpu.memory_space<vmem_shared>>
      tpu.wait_dma2 semaphore(%run_scoped3A : memref<!tpu.dma_semaphore, #tpu.memory_space<semaphore_mem>>) src(%arg28 : memref<5248xf32, #tpu.memory_space<vmem>>) dst(%dma_wait3A_123 : memref<5248xf32, #tpu.memory_space<vmem_shared>>)
      tpu.yield
    }) : () -> ()
    "tpu.region"() ({
      %run_scoped3A = tpu.sem_alloc : memref<!tpu.dma_semaphore, #tpu.memory_space<semaphore_mem>>
      tpu.enqueue_dma source(%arg8 : memref<64xf32, #tpu.memory_space<hbm>>) target(%arg27 : memref<64xf32, #tpu.memory_space<vmem>>) target_semaphore(%run_scoped3A : memref<!tpu.dma_semaphore, #tpu.memory_space<semaphore_mem>>)
      tpu.wait_dma2 semaphore(%run_scoped3A : memref<!tpu.dma_semaphore, #tpu.memory_space<semaphore_mem>>) src(%arg8 : memref<64xf32, #tpu.memory_space<hbm>>) dst(%arg27 : memref<64xf32, #tpu.memory_space<vmem>>)
      tpu.yield
    }) : () -> ()
    %barrier3A = arith.constant 0 : index
    tpu.barrier barrier_id(%barrier3A)
    %add3A_7 = arith.constant 0 : i32
    %add3A_8 = arith.addi %mul3A_2, %add3A_7 : i32
    %dma_start3A = tpu.memref_slice %arg3[%add3A_8] : memref<327680xi32, #tpu.memory_space<hbm>> -> memref<64xi32, #tpu.memory_space<hbm>>
    %dma_start3A_9 = tpu.memref_slice %arg3[%add3A_8] : memref<327680xi32, #tpu.memory_space<hbm>> -> memref<64xi32, #tpu.memory_space<hbm>>
    tpu.enqueue_dma source(%dma_start3A_9 : memref<64xi32, #tpu.memory_space<hbm>>) target(%arg11 : memref<64xi32, #tpu.memory_space<vmem>>) target_semaphore(%arg31 : memref<!tpu.dma_semaphore, #tpu.memory_space<semaphore_mem>>)
    %add3A_10 = arith.constant 0 : i32
    %add3A_11 = arith.addi %mul3A_2, %add3A_10 : i32
    %dma_start3A_12 = tpu.memref_slice %arg4[%add3A_11] : memref<327680xi32, #tpu.memory_space<hbm>> -> memref<64xi32, #tpu.memory_space<hbm>>
    %dma_start3A_13 = tpu.memref_slice %arg4[%add3A_11] : memref<327680xi32, #tpu.memory_space<hbm>> -> memref<64xi32, #tpu.memory_space<hbm>>
    tpu.enqueue_dma source(%dma_start3A_13 : memref<64xi32, #tpu.memory_space<hbm>>) target(%arg15 : memref<64xi32, #tpu.memory_space<vmem>>) target_semaphore(%arg31 : memref<!tpu.dma_semaphore, #tpu.memory_space<semaphore_mem>>)
    %add3A_14 = arith.constant 0 : i32
    %add3A_15 = arith.addi %mul3A_2, %add3A_14 : i32
    %dma_start3A_16 = tpu.memref_slice %arg5[%add3A_15] : memref<327680xi32, #tpu.memory_space<hbm>> -> memref<64xi32, #tpu.memory_space<hbm>>
    %dma_start3A_17 = tpu.memref_slice %arg5[%add3A_15] : memref<327680xi32, #tpu.memory_space<hbm>> -> memref<64xi32, #tpu.memory_space<hbm>>
    tpu.enqueue_dma source(%dma_start3A_17 : memref<64xi32, #tpu.memory_space<hbm>>) target(%arg19 : memref<64xi32, #tpu.memory_space<vmem>>) target_semaphore(%arg31 : memref<!tpu.dma_semaphore, #tpu.memory_space<semaphore_mem>>)
    %add3A_18 = arith.constant 64 : i32
    %add3A_19 = arith.addi %mul3A_2, %add3A_18 : i32
    %dma_start3A_20 = tpu.memref_slice %arg3[%add3A_19] : memref<327680xi32, #tpu.memory_space<hbm>> -> memref<64xi32, #tpu.memory_space<hbm>>
    %dma_start3A_21 = tpu.memref_slice %arg3[%add3A_19] : memref<327680xi32, #tpu.memory_space<hbm>> -> memref<64xi32, #tpu.memory_space<hbm>>
    tpu.enqueue_dma source(%dma_start3A_21 : memref<64xi32, #tpu.memory_space<hbm>>) target(%arg12 : memref<64xi32, #tpu.memory_space<vmem>>) target_semaphore(%arg32 : memref<!tpu.dma_semaphore, #tpu.memory_space<semaphore_mem>>)
    %add3A_22 = arith.constant 64 : i32
    %add3A_23 = arith.addi %mul3A_2, %add3A_22 : i32
    %dma_start3A_24 = tpu.memref_slice %arg4[%add3A_23] : memref<327680xi32, #tpu.memory_space<hbm>> -> memref<64xi32, #tpu.memory_space<hbm>>
    %dma_start3A_25 = tpu.memref_slice %arg4[%add3A_23] : memref<327680xi32, #tpu.memory_space<hbm>> -> memref<64xi32, #tpu.memory_space<hbm>>
    tpu.enqueue_dma source(%dma_start3A_25 : memref<64xi32, #tpu.memory_space<hbm>>) target(%arg16 : memref<64xi32, #tpu.memory_space<vmem>>) target_semaphore(%arg32 : memref<!tpu.dma_semaphore, #tpu.memory_space<semaphore_mem>>)
    %add3A_26 = arith.constant 64 : i32
    %add3A_27 = arith.addi %mul3A_2, %add3A_26 : i32
    %dma_start3A_28 = tpu.memref_slice %arg5[%add3A_27] : memref<327680xi32, #tpu.memory_space<hbm>> -> memref<64xi32, #tpu.memory_space<hbm>>
    %dma_start3A_29 = tpu.memref_slice %arg5[%add3A_27] : memref<327680xi32, #tpu.memory_space<hbm>> -> memref<64xi32, #tpu.memory_space<hbm>>
    tpu.enqueue_dma source(%dma_start3A_29 : memref<64xi32, #tpu.memory_space<hbm>>) target(%arg20 : memref<64xi32, #tpu.memory_space<vmem>>) target_semaphore(%arg32 : memref<!tpu.dma_semaphore, #tpu.memory_space<semaphore_mem>>)
    %add3A_30 = arith.constant 128 : i32
    %add3A_31 = arith.addi %mul3A_2, %add3A_30 : i32
    %dma_start3A_32 = tpu.memref_slice %arg3[%add3A_31] : memref<327680xi32, #tpu.memory_space<hbm>> -> memref<64xi32, #tpu.memory_space<hbm>>
    %dma_start3A_33 = tpu.memref_slice %arg3[%add3A_31] : memref<327680xi32, #tpu.memory_space<hbm>> -> memref<64xi32, #tpu.memory_space<hbm>>
    tpu.enqueue_dma source(%dma_start3A_33 : memref<64xi32, #tpu.memory_space<hbm>>) target(%arg13 : memref<64xi32, #tpu.memory_space<vmem>>) target_semaphore(%arg33 : memref<!tpu.dma_semaphore, #tpu.memory_space<semaphore_mem>>)
    %add3A_34 = arith.constant 128 : i32
    %add3A_35 = arith.addi %mul3A_2, %add3A_34 : i32
    %dma_start3A_36 = tpu.memref_slice %arg4[%add3A_35] : memref<327680xi32, #tpu.memory_space<hbm>> -> memref<64xi32, #tpu.memory_space<hbm>>
    %dma_start3A_37 = tpu.memref_slice %arg4[%add3A_35] : memref<327680xi32, #tpu.memory_space<hbm>> -> memref<64xi32, #tpu.memory_space<hbm>>
    tpu.enqueue_dma source(%dma_start3A_37 : memref<64xi32, #tpu.memory_space<hbm>>) target(%arg17 : memref<64xi32, #tpu.memory_space<vmem>>) target_semaphore(%arg33 : memref<!tpu.dma_semaphore, #tpu.memory_space<semaphore_mem>>)
    %add3A_38 = arith.constant 128 : i32
    %add3A_39 = arith.addi %mul3A_2, %add3A_38 : i32
    %dma_start3A_40 = tpu.memref_slice %arg5[%add3A_39] : memref<327680xi32, #tpu.memory_space<hbm>> -> memref<64xi32, #tpu.memory_space<hbm>>
    %dma_start3A_41 = tpu.memref_slice %arg5[%add3A_39] : memref<327680xi32, #tpu.memory_space<hbm>> -> memref<64xi32, #tpu.memory_space<hbm>>
    tpu.enqueue_dma source(%dma_start3A_41 : memref<64xi32, #tpu.memory_space<hbm>>) target(%arg21 : memref<64xi32, #tpu.memory_space<vmem>>) target_semaphore(%arg33 : memref<!tpu.dma_semaphore, #tpu.memory_space<semaphore_mem>>)
    %add3A_42 = arith.constant 192 : i32
    %add3A_43 = arith.addi %mul3A_2, %add3A_42 : i32
    %dma_start3A_44 = tpu.memref_slice %arg3[%add3A_43] : memref<327680xi32, #tpu.memory_space<hbm>> -> memref<64xi32, #tpu.memory_space<hbm>>
    %dma_start3A_45 = tpu.memref_slice %arg3[%add3A_43] : memref<327680xi32, #tpu.memory_space<hbm>> -> memref<64xi32, #tpu.memory_space<hbm>>
    tpu.enqueue_dma source(%dma_start3A_45 : memref<64xi32, #tpu.memory_space<hbm>>) target(%arg14 : memref<64xi32, #tpu.memory_space<vmem>>) target_semaphore(%arg34 : memref<!tpu.dma_semaphore, #tpu.memory_space<semaphore_mem>>)
    %add3A_46 = arith.constant 192 : i32
    %add3A_47 = arith.addi %mul3A_2, %add3A_46 : i32
    %dma_start3A_48 = tpu.memref_slice %arg4[%add3A_47] : memref<327680xi32, #tpu.memory_space<hbm>> -> memref<64xi32, #tpu.memory_space<hbm>>
    %dma_start3A_49 = tpu.memref_slice %arg4[%add3A_47] : memref<327680xi32, #tpu.memory_space<hbm>> -> memref<64xi32, #tpu.memory_space<hbm>>
    tpu.enqueue_dma source(%dma_start3A_49 : memref<64xi32, #tpu.memory_space<hbm>>) target(%arg18 : memref<64xi32, #tpu.memory_space<vmem>>) target_semaphore(%arg34 : memref<!tpu.dma_semaphore, #tpu.memory_space<semaphore_mem>>)
    %add3A_50 = arith.constant 192 : i32
    %add3A_51 = arith.addi %mul3A_2, %add3A_50 : i32
    %dma_start3A_52 = tpu.memref_slice %arg5[%add3A_51] : memref<327680xi32, #tpu.memory_space<hbm>> -> memref<64xi32, #tpu.memory_space<hbm>>
    %dma_start3A_53 = tpu.memref_slice %arg5[%add3A_51] : memref<327680xi32, #tpu.memory_space<hbm>> -> memref<64xi32, #tpu.memory_space<hbm>>
    tpu.enqueue_dma source(%dma_start3A_53 : memref<64xi32, #tpu.memory_space<hbm>>) target(%arg22 : memref<64xi32, #tpu.memory_space<vmem>>) target_semaphore(%arg34 : memref<!tpu.dma_semaphore, #tpu.memory_space<semaphore_mem>>)
    %add3A_54 = arith.constant 0 : i32
    %add3A_55 = arith.addi %mul3A_2, %add3A_54 : i32
    %dma_wait3A = tpu.memref_slice %arg3[%add3A_55] : memref<327680xi32, #tpu.memory_space<hbm>> -> memref<64xi32, #tpu.memory_space<hbm>>
    %dma_wait3A_56 = tpu.memref_slice %arg3[%add3A_55] : memref<327680xi32, #tpu.memory_space<hbm>> -> memref<64xi32, #tpu.memory_space<hbm>>
    tpu.wait_dma2 semaphore(%arg31 : memref<!tpu.dma_semaphore, #tpu.memory_space<semaphore_mem>>) src(%dma_wait3A_56 : memref<64xi32, #tpu.memory_space<hbm>>) dst(%arg11 : memref<64xi32, #tpu.memory_space<vmem>>)
    %add3A_57 = arith.constant 0 : i32
    %add3A_58 = arith.addi %mul3A_2, %add3A_57 : i32
    %dma_wait3A_59 = tpu.memref_slice %arg4[%add3A_58] : memref<327680xi32, #tpu.memory_space<hbm>> -> memref<64xi32, #tpu.memory_space<hbm>>
    %dma_wait3A_60 = tpu.memref_slice %arg4[%add3A_58] : memref<327680xi32, #tpu.memory_space<hbm>> -> memref<64xi32, #tpu.memory_space<hbm>>
    tpu.wait_dma2 semaphore(%arg31 : memref<!tpu.dma_semaphore, #tpu.memory_space<semaphore_mem>>) src(%dma_wait3A_60 : memref<64xi32, #tpu.memory_space<hbm>>) dst(%arg15 : memref<64xi32, #tpu.memory_space<vmem>>)
    %add3A_61 = arith.constant 0 : i32
    %add3A_62 = arith.addi %mul3A_2, %add3A_61 : i32
    %dma_wait3A_63 = tpu.memref_slice %arg5[%add3A_62] : memref<327680xi32, #tpu.memory_space<hbm>> -> memref<64xi32, #tpu.memory_space<hbm>>
    %dma_wait3A_64 = tpu.memref_slice %arg5[%add3A_62] : memref<327680xi32, #tpu.memory_space<hbm>> -> memref<64xi32, #tpu.memory_space<hbm>>
    tpu.wait_dma2 semaphore(%arg31 : memref<!tpu.dma_semaphore, #tpu.memory_space<semaphore_mem>>) src(%dma_wait3A_64 : memref<64xi32, #tpu.memory_space<hbm>>) dst(%arg19 : memref<64xi32, #tpu.memory_space<vmem>>)
    %dma_start3A_65 = arith.constant 0 : i32
    %dma_start3A_66 = arith.constant 0 : i32
    %dma_start3A_67 = tpu.memref_slice %arg2[%dma_start3A_65, %dma_start3A_66] : memref<10240x128xf32, #tpu.memory_space<hbm>> -> memref<10240x128xf32, #tpu.memory_space<hbm>>
    tpu.enqueue_indirect_dma source(%dma_start3A_67 : memref<10240x128xf32, #tpu.memory_space<hbm>>) target(%arg23 : memref<64x128xf32, #tpu.memory_space<vmem>>) offsets(%arg11 : memref<64xi32, #tpu.memory_space<vmem>>) semaphore(%arg35 : memref<!tpu.dma_semaphore, #tpu.memory_space<semaphore_mem>>)
    %add3A_68 = arith.constant 64 : i32
    %add3A_69 = arith.addi %mul3A_2, %add3A_68 : i32
    %dma_wait3A_70 = tpu.memref_slice %arg3[%add3A_69] : memref<327680xi32, #tpu.memory_space<hbm>> -> memref<64xi32, #tpu.memory_space<hbm>>
    %dma_wait3A_71 = tpu.memref_slice %arg3[%add3A_69] : memref<327680xi32, #tpu.memory_space<hbm>> -> memref<64xi32, #tpu.memory_space<hbm>>
    tpu.wait_dma2 semaphore(%arg32 : memref<!tpu.dma_semaphore, #tpu.memory_space<semaphore_mem>>) src(%dma_wait3A_71 : memref<64xi32, #tpu.memory_space<hbm>>) dst(%arg12 : memref<64xi32, #tpu.memory_space<vmem>>)
    %add3A_72 = arith.constant 64 : i32
    %add3A_73 = arith.addi %mul3A_2, %add3A_72 : i32
    %dma_wait3A_74 = tpu.memref_slice %arg4[%add3A_73] : memref<327680xi32, #tpu.memory_space<hbm>> -> memref<64xi32, #tpu.memory_space<hbm>>
    %dma_wait3A_75 = tpu.memref_slice %arg4[%add3A_73] : memref<327680xi32, #tpu.memory_space<hbm>> -> memref<64xi32, #tpu.memory_space<hbm>>
    tpu.wait_dma2 semaphore(%arg32 : memref<!tpu.dma_semaphore, #tpu.memory_space<semaphore_mem>>) src(%dma_wait3A_75 : memref<64xi32, #tpu.memory_space<hbm>>) dst(%arg16 : memref<64xi32, #tpu.memory_space<vmem>>)
    %add3A_76 = arith.constant 64 : i32
    %add3A_77 = arith.addi %mul3A_2, %add3A_76 : i32
    %dma_wait3A_78 = tpu.memref_slice %arg5[%add3A_77] : memref<327680xi32, #tpu.memory_space<hbm>> -> memref<64xi32, #tpu.memory_space<hbm>>
    %dma_wait3A_79 = tpu.memref_slice %arg5[%add3A_77] : memref<327680xi32, #tpu.memory_space<hbm>> -> memref<64xi32, #tpu.memory_space<hbm>>
    tpu.wait_dma2 semaphore(%arg32 : memref<!tpu.dma_semaphore, #tpu.memory_space<semaphore_mem>>) src(%dma_wait3A_79 : memref<64xi32, #tpu.memory_space<hbm>>) dst(%arg20 : memref<64xi32, #tpu.memory_space<vmem>>)
    %dma_start3A_80 = arith.constant 0 : i32
    %dma_start3A_81 = arith.constant 0 : i32
    %dma_start3A_82 = tpu.memref_slice %arg2[%dma_start3A_80, %dma_start3A_81] : memref<10240x128xf32, #tpu.memory_space<hbm>> -> memref<10240x128xf32, #tpu.memory_space<hbm>>
    tpu.enqueue_indirect_dma source(%dma_start3A_82 : memref<10240x128xf32, #tpu.memory_space<hbm>>) target(%arg24 : memref<64x128xf32, #tpu.memory_space<vmem>>) offsets(%arg12 : memref<64xi32, #tpu.memory_space<vmem>>) semaphore(%arg36 : memref<!tpu.dma_semaphore, #tpu.memory_space<semaphore_mem>>)
    %add3A_83 = arith.constant 128 : i32
    %add3A_84 = arith.addi %mul3A_2, %add3A_83 : i32
    %dma_wait3A_85 = tpu.memref_slice %arg3[%add3A_84] : memref<327680xi32, #tpu.memory_space<hbm>> -> memref<64xi32, #tpu.memory_space<hbm>>
    %dma_wait3A_86 = tpu.memref_slice %arg3[%add3A_84] : memref<327680xi32, #tpu.memory_space<hbm>> -> memref<64xi32, #tpu.memory_space<hbm>>
    tpu.wait_dma2 semaphore(%arg33 : memref<!tpu.dma_semaphore, #tpu.memory_space<semaphore_mem>>) src(%dma_wait3A_86 : memref<64xi32, #tpu.memory_space<hbm>>) dst(%arg13 : memref<64xi32, #tpu.memory_space<vmem>>)
    %add3A_87 = arith.constant 128 : i32
    %add3A_88 = arith.addi %mul3A_2, %add3A_87 : i32
    %dma_wait3A_89 = tpu.memref_slice %arg4[%add3A_88] : memref<327680xi32, #tpu.memory_space<hbm>> -> memref<64xi32, #tpu.memory_space<hbm>>
    %dma_wait3A_90 = tpu.memref_slice %arg4[%add3A_88] : memref<327680xi32, #tpu.memory_space<hbm>> -> memref<64xi32, #tpu.memory_space<hbm>>
    tpu.wait_dma2 semaphore(%arg33 : memref<!tpu.dma_semaphore, #tpu.memory_space<semaphore_mem>>) src(%dma_wait3A_90 : memref<64xi32, #tpu.memory_space<hbm>>) dst(%arg17 : memref<64xi32, #tpu.memory_space<vmem>>)
    %add3A_91 = arith.constant 128 : i32
    %add3A_92 = arith.addi %mul3A_2, %add3A_91 : i32
    %dma_wait3A_93 = tpu.memref_slice %arg5[%add3A_92] : memref<327680xi32, #tpu.memory_space<hbm>> -> memref<64xi32, #tpu.memory_space<hbm>>
    %dma_wait3A_94 = tpu.memref_slice %arg5[%add3A_92] : memref<327680xi32, #tpu.memory_space<hbm>> -> memref<64xi32, #tpu.memory_space<hbm>>
    tpu.wait_dma2 semaphore(%arg33 : memref<!tpu.dma_semaphore, #tpu.memory_space<semaphore_mem>>) src(%dma_wait3A_94 : memref<64xi32, #tpu.memory_space<hbm>>) dst(%arg21 : memref<64xi32, #tpu.memory_space<vmem>>)
    %dma_start3A_95 = arith.constant 0 : i32
    %dma_start3A_96 = arith.constant 0 : i32
    %dma_start3A_97 = tpu.memref_slice %arg2[%dma_start3A_95, %dma_start3A_96] : memref<10240x128xf32, #tpu.memory_space<hbm>> -> memref<10240x128xf32, #tpu.memory_space<hbm>>
    tpu.enqueue_indirect_dma source(%dma_start3A_97 : memref<10240x128xf32, #tpu.memory_space<hbm>>) target(%arg25 : memref<64x128xf32, #tpu.memory_space<vmem>>) offsets(%arg13 : memref<64xi32, #tpu.memory_space<vmem>>) semaphore(%arg37 : memref<!tpu.dma_semaphore, #tpu.memory_space<semaphore_mem>>)
    %scan3A = arith.constant 0 : i32
    %scan3A_98 = arith.constant 0 : i32
    %scan3A_99 = arith.constant 40 : i32
    %scan3A_100 = arith.addi %scan3A_98, %scan3A_99 : i32
    %scan3A_101 = arith.constant 1 : i32
    scf.for %scan3A_120 = %scan3A_98 to %scan3A_100 step %scan3A_101  : i32 {
      %mul3A_121 = arith.constant 4 : i32
      %mul3A_122 = arith.muli %scan3A_120, %mul3A_121 : i32
      %add3A_123 = arith.constant 0 : i32
      %add3A_124 = arith.addi %mul3A_122, %add3A_123 : i32
      %add3A_125 = arith.constant 4 : i32
      %add3A_126 = arith.addi %add3A_124, %add3A_125 : i32
      %sub3A = arith.constant 1 : i32
      %sub3A_127 = arith.subi %add3A_126, %sub3A : i32
      %lt3A = arith.constant 160 : i32
      %lt3A_128 = arith.cmpi slt, %sub3A_127, %lt3A : i32
      %convert_element_type3A = arith.extui %lt3A_128 : i1 to i32
      %cond3A = arith.constant 0 : i32
      %cond3A_129 = arith.cmpi ne, %convert_element_type3A, %cond3A : i32
      scf.if %cond3A_129 {
        %add3A_209 = arith.constant 4 : i32
        %add3A_210 = arith.addi %add3A_124, %add3A_209 : i32
        %sub3A_211 = arith.constant 1 : i32
        %sub3A_212 = arith.subi %add3A_210, %sub3A_211 : i32
        %mul3A_213 = arith.constant 64 : i32
        %mul3A_214 = arith.muli %sub3A_212, %mul3A_213 : i32
        %add3A_215 = arith.addi %mul3A_2, %mul3A_214 : i32
        %dma_wait3A_216 = tpu.memref_slice %arg3[%add3A_215] : memref<327680xi32, #tpu.memory_space<hbm>> -> memref<64xi32, #tpu.memory_space<hbm>>
        %dma_wait3A_217 = tpu.memref_slice %arg3[%add3A_215] : memref<327680xi32, #tpu.memory_space<hbm>> -> memref<64xi32, #tpu.memory_space<hbm>>
        tpu.wait_dma2 semaphore(%arg34 : memref<!tpu.dma_semaphore, #tpu.memory_space<semaphore_mem>>) src(%dma_wait3A_217 : memref<64xi32, #tpu.memory_space<hbm>>) dst(%arg14 : memref<64xi32, #tpu.memory_space<vmem>>)
        %mul3A_218 = arith.constant 64 : i32
        %mul3A_219 = arith.muli %sub3A_212, %mul3A_218 : i32
        %add3A_220 = arith.addi %mul3A_2, %mul3A_219 : i32
        %dma_wait3A_221 = tpu.memref_slice %arg4[%add3A_220] : memref<327680xi32, #tpu.memory_space<hbm>> -> memref<64xi32, #tpu.memory_space<hbm>>
        %dma_wait3A_222 = tpu.memref_slice %arg4[%add3A_220] : memref<327680xi32, #tpu.memory_space<hbm>> -> memref<64xi32, #tpu.memory_space<hbm>>
        tpu.wait_dma2 semaphore(%arg34 : memref<!tpu.dma_semaphore, #tpu.memory_space<semaphore_mem>>) src(%dma_wait3A_222 : memref<64xi32, #tpu.memory_space<hbm>>) dst(%arg18 : memref<64xi32, #tpu.memory_space<vmem>>)
        %mul3A_223 = arith.constant 64 : i32
        %mul3A_224 = arith.muli %sub3A_212, %mul3A_223 : i32
        %add3A_225 = arith.addi %mul3A_2, %mul3A_224 : i32
        %dma_wait3A_226 = tpu.memref_slice %arg5[%add3A_225] : memref<327680xi32, #tpu.memory_space<hbm>> -> memref<64xi32, #tpu.memory_space<hbm>>
        %dma_wait3A_227 = tpu.memref_slice %arg5[%add3A_225] : memref<327680xi32, #tpu.memory_space<hbm>> -> memref<64xi32, #tpu.memory_space<hbm>>
        tpu.wait_dma2 semaphore(%arg34 : memref<!tpu.dma_semaphore, #tpu.memory_space<semaphore_mem>>) src(%dma_wait3A_227 : memref<64xi32, #tpu.memory_space<hbm>>) dst(%arg22 : memref<64xi32, #tpu.memory_space<vmem>>)
        %dma_start3A_228 = arith.constant 0 : i32
        %dma_start3A_229 = arith.constant 0 : i32
        %dma_start3A_230 = tpu.memref_slice %arg2[%dma_start3A_228, %dma_start3A_229] : memref<10240x128xf32, #tpu.memory_space<hbm>> -> memref<10240x128xf32, #tpu.memory_space<hbm>>
        tpu.enqueue_indirect_dma source(%dma_start3A_230 : memref<10240x128xf32, #tpu.memory_space<hbm>>) target(%arg26 : memref<64x128xf32, #tpu.memory_space<vmem>>) offsets(%arg14 : memref<64xi32, #tpu.memory_space<vmem>>) semaphore(%arg38 : memref<!tpu.dma_semaphore, #tpu.memory_space<semaphore_mem>>)
      } else {
      }
      %dma_wait3A_130 = arith.constant 0 : i32
      %dma_wait3A_131 = arith.constant 0 : i32
      %dma_wait3A_132 = tpu.memref_slice %arg2[%dma_wait3A_130, %dma_wait3A_131] : memref<10240x128xf32, #tpu.memory_space<hbm>> -> memref<10240x128xf32, #tpu.memory_space<hbm>>
      tpu.wait_indirect_dma semaphore(%arg35 : memref<!tpu.dma_semaphore, #tpu.memory_space<semaphore_mem>>) src(%dma_wait3A_132 : memref<10240x128xf32, #tpu.memory_space<hbm>>) dst(%arg23 : memref<64x128xf32, #tpu.memory_space<vmem>>)
      "tpu.region"() ({
        %run_scoped3A = tpu.sem_alloc : memref<!tpu.dma_semaphore, #tpu.memory_space<semaphore_mem>>
        %dma_start3A_209 = arith.constant 0 : i32
        %dma_start3A_210 = arith.constant 0 : i32
        %dma_start3A_211 = tpu.memref_slice %arg29[%dma_start3A_209, %dma_start3A_210] : memref<10368x128xf32, #tpu.memory_space<vmem_shared>> -> memref<10368x128xf32, #tpu.memory_space<vmem_shared>>
        tpu.enqueue_indirect_dma source(%arg23 : memref<64x128xf32, #tpu.memory_space<vmem>>) target(%dma_start3A_211 : memref<10368x128xf32, #tpu.memory_space<vmem_shared>>) offsets(%arg15 : memref<64xi32, #tpu.memory_space<vmem>>) semaphore(%run_scoped3A : memref<!tpu.dma_semaphore, #tpu.memory_space<semaphore_mem>>) {add = true}
        %dma_wait3A_212 = arith.constant 0 : i32
        %dma_wait3A_213 = arith.constant 0 : i32
        %dma_wait3A_214 = tpu.memref_slice %arg29[%dma_wait3A_212, %dma_wait3A_213] : memref<10368x128xf32, #tpu.memory_space<vmem_shared>> -> memref<10368x128xf32, #tpu.memory_space<vmem_shared>>
        tpu.wait_indirect_dma semaphore(%run_scoped3A : memref<!tpu.dma_semaphore, #tpu.memory_space<semaphore_mem>>) src(%arg23 : memref<64x128xf32, #tpu.memory_space<vmem>>) dst(%dma_wait3A_214 : memref<10368x128xf32, #tpu.memory_space<vmem_shared>>)
        tpu.yield
      }) : () -> ()
      "tpu.region"() ({
        %run_scoped3A = tpu.sem_alloc : memref<!tpu.dma_semaphore, #tpu.memory_space<semaphore_mem>>
        %dma_start3A_209 = arith.constant 0 : i32
        %dma_start3A_210 = tpu.memref_slice %arg30[%dma_start3A_209] : memref<83968xf32, #tpu.memory_space<vmem_shared>> -> memref<83968xf32, #tpu.memory_space<vmem_shared>>
        tpu.enqueue_indirect_dma source(%arg27 : memref<64xf32, #tpu.memory_space<vmem>>) target(%dma_start3A_210 : memref<83968xf32, #tpu.memory_space<vmem_shared>>) offsets(%arg19 : memref<64xi32, #tpu.memory_space<vmem>>) semaphore(%run_scoped3A : memref<!tpu.dma_semaphore, #tpu.memory_space<semaphore_mem>>) {add = true}
        %dma_wait3A_211 = arith.constant 0 : i32
        %dma_wait3A_212 = tpu.memref_slice %arg30[%dma_wait3A_211] : memref<83968xf32, #tpu.memory_space<vmem_shared>> -> memref<83968xf32, #tpu.memory_space<vmem_shared>>
        tpu.wait_indirect_dma semaphore(%run_scoped3A : memref<!tpu.dma_semaphore, #tpu.memory_space<semaphore_mem>>) src(%arg27 : memref<64xf32, #tpu.memory_space<vmem>>) dst(%dma_wait3A_212 : memref<83968xf32, #tpu.memory_space<vmem_shared>>)
        tpu.yield
      }) : () -> ()
      %add3A_133 = arith.constant 4 : i32
      %add3A_134 = arith.addi %add3A_124, %add3A_133 : i32
      %lt3A_135 = arith.constant 160 : i32
      %lt3A_136 = arith.cmpi slt, %add3A_134, %lt3A_135 : i32
      %convert_element_type3A_137 = arith.extui %lt3A_136 : i1 to i32
      %cond3A_138 = arith.constant 0 : i32
      %cond3A_139 = arith.cmpi ne, %convert_element_type3A_137, %cond3A_138 : i32
      scf.if %cond3A_139 {
        %add3A_209 = arith.constant 4 : i32
        %add3A_210 = arith.addi %add3A_124, %add3A_209 : i32
        %mul3A_211 = arith.constant 64 : i32
        %mul3A_212 = arith.muli %add3A_210, %mul3A_211 : i32
        %add3A_213 = arith.addi %mul3A_2, %mul3A_212 : i32
        %dma_start3A_214 = tpu.memref_slice %arg3[%add3A_213] : memref<327680xi32, #tpu.memory_space<hbm>> -> memref<64xi32, #tpu.memory_space<hbm>>
        %dma_start3A_215 = tpu.memref_slice %arg3[%add3A_213] : memref<327680xi32, #tpu.memory_space<hbm>> -> memref<64xi32, #tpu.memory_space<hbm>>
        tpu.enqueue_dma source(%dma_start3A_215 : memref<64xi32, #tpu.memory_space<hbm>>) target(%arg11 : memref<64xi32, #tpu.memory_space<vmem>>) target_semaphore(%arg31 : memref<!tpu.dma_semaphore, #tpu.memory_space<semaphore_mem>>)
        %mul3A_216 = arith.constant 64 : i32
        %mul3A_217 = arith.muli %add3A_210, %mul3A_216 : i32
        %add3A_218 = arith.addi %mul3A_2, %mul3A_217 : i32
        %dma_start3A_219 = tpu.memref_slice %arg4[%add3A_218] : memref<327680xi32, #tpu.memory_space<hbm>> -> memref<64xi32, #tpu.memory_space<hbm>>
        %dma_start3A_220 = tpu.memref_slice %arg4[%add3A_218] : memref<327680xi32, #tpu.memory_space<hbm>> -> memref<64xi32, #tpu.memory_space<hbm>>
        tpu.enqueue_dma source(%dma_start3A_220 : memref<64xi32, #tpu.memory_space<hbm>>) target(%arg15 : memref<64xi32, #tpu.memory_space<vmem>>) target_semaphore(%arg31 : memref<!tpu.dma_semaphore, #tpu.memory_space<semaphore_mem>>)
        %mul3A_221 = arith.constant 64 : i32
        %mul3A_222 = arith.muli %add3A_210, %mul3A_221 : i32
        %add3A_223 = arith.addi %mul3A_2, %mul3A_222 : i32
        %dma_start3A_224 = tpu.memref_slice %arg5[%add3A_223] : memref<327680xi32, #tpu.memory_space<hbm>> -> memref<64xi32, #tpu.memory_space<hbm>>
        %dma_start3A_225 = tpu.memref_slice %arg5[%add3A_223] : memref<327680xi32, #tpu.memory_space<hbm>> -> memref<64xi32, #tpu.memory_space<hbm>>
        tpu.enqueue_dma source(%dma_start3A_225 : memref<64xi32, #tpu.memory_space<hbm>>) target(%arg19 : memref<64xi32, #tpu.memory_space<vmem>>) target_semaphore(%arg31 : memref<!tpu.dma_semaphore, #tpu.memory_space<semaphore_mem>>)
      } else {
      }
      %mul3A_140 = arith.constant 4 : i32
      %mul3A_141 = arith.muli %scan3A_120, %mul3A_140 : i32
      %add3A_142 = arith.constant 1 : i32
      %add3A_143 = arith.addi %mul3A_141, %add3A_142 : i32
      %add3A_144 = arith.constant 4 : i32
      %add3A_145 = arith.addi %add3A_143, %add3A_144 : i32
      %sub3A_146 = arith.constant 1 : i32
      %sub3A_147 = arith.subi %add3A_145, %sub3A_146 : i32
      %lt3A_148 = arith.constant 160 : i32
      %lt3A_149 = arith.cmpi slt, %sub3A_147, %lt3A_148 : i32
      %convert_element_type3A_150 = arith.extui %lt3A_149 : i1 to i32
      %cond3A_151 = arith.constant 0 : i32
      %cond3A_152 = arith.cmpi ne, %convert_element_type3A_150, %cond3A_151 : i32
      scf.if %cond3A_152 {
        %add3A_209 = arith.constant 4 : i32
        %add3A_210 = arith.addi %add3A_143, %add3A_209 : i32
        %sub3A_211 = arith.constant 1 : i32
        %sub3A_212 = arith.subi %add3A_210, %sub3A_211 : i32
        %mul3A_213 = arith.constant 64 : i32
        %mul3A_214 = arith.muli %sub3A_212, %mul3A_213 : i32
        %add3A_215 = arith.addi %mul3A_2, %mul3A_214 : i32
        %dma_wait3A_216 = tpu.memref_slice %arg3[%add3A_215] : memref<327680xi32, #tpu.memory_space<hbm>> -> memref<64xi32, #tpu.memory_space<hbm>>
        %dma_wait3A_217 = tpu.memref_slice %arg3[%add3A_215] : memref<327680xi32, #tpu.memory_space<hbm>> -> memref<64xi32, #tpu.memory_space<hbm>>
        tpu.wait_dma2 semaphore(%arg31 : memref<!tpu.dma_semaphore, #tpu.memory_space<semaphore_mem>>) src(%dma_wait3A_217 : memref<64xi32, #tpu.memory_space<hbm>>) dst(%arg11 : memref<64xi32, #tpu.memory_space<vmem>>)
        %mul3A_218 = arith.constant 64 : i32
        %mul3A_219 = arith.muli %sub3A_212, %mul3A_218 : i32
        %add3A_220 = arith.addi %mul3A_2, %mul3A_219 : i32
        %dma_wait3A_221 = tpu.memref_slice %arg4[%add3A_220] : memref<327680xi32, #tpu.memory_space<hbm>> -> memref<64xi32, #tpu.memory_space<hbm>>
        %dma_wait3A_222 = tpu.memref_slice %arg4[%add3A_220] : memref<327680xi32, #tpu.memory_space<hbm>> -> memref<64xi32, #tpu.memory_space<hbm>>
        tpu.wait_dma2 semaphore(%arg31 : memref<!tpu.dma_semaphore, #tpu.memory_space<semaphore_mem>>) src(%dma_wait3A_222 : memref<64xi32, #tpu.memory_space<hbm>>) dst(%arg15 : memref<64xi32, #tpu.memory_space<vmem>>)
        %mul3A_223 = arith.constant 64 : i32
        %mul3A_224 = arith.muli %sub3A_212, %mul3A_223 : i32
        %add3A_225 = arith.addi %mul3A_2, %mul3A_224 : i32
        %dma_wait3A_226 = tpu.memref_slice %arg5[%add3A_225] : memref<327680xi32, #tpu.memory_space<hbm>> -> memref<64xi32, #tpu.memory_space<hbm>>
        %dma_wait3A_227 = tpu.memref_slice %arg5[%add3A_225] : memref<327680xi32, #tpu.memory_space<hbm>> -> memref<64xi32, #tpu.memory_space<hbm>>
        tpu.wait_dma2 semaphore(%arg31 : memref<!tpu.dma_semaphore, #tpu.memory_space<semaphore_mem>>) src(%dma_wait3A_227 : memref<64xi32, #tpu.memory_space<hbm>>) dst(%arg19 : memref<64xi32, #tpu.memory_space<vmem>>)
        %dma_start3A_228 = arith.constant 0 : i32
        %dma_start3A_229 = arith.constant 0 : i32
        %dma_start3A_230 = tpu.memref_slice %arg2[%dma_start3A_228, %dma_start3A_229] : memref<10240x128xf32, #tpu.memory_space<hbm>> -> memref<10240x128xf32, #tpu.memory_space<hbm>>
        tpu.enqueue_indirect_dma source(%dma_start3A_230 : memref<10240x128xf32, #tpu.memory_space<hbm>>) target(%arg23 : memref<64x128xf32, #tpu.memory_space<vmem>>) offsets(%arg11 : memref<64xi32, #tpu.memory_space<vmem>>) semaphore(%arg35 : memref<!tpu.dma_semaphore, #tpu.memory_space<semaphore_mem>>)
      } else {
      }
      %dma_wait3A_153 = arith.constant 0 : i32
      %dma_wait3A_154 = arith.constant 0 : i32
      %dma_wait3A_155 = tpu.memref_slice %arg2[%dma_wait3A_153, %dma_wait3A_154] : memref<10240x128xf32, #tpu.memory_space<hbm>> -> memref<10240x128xf32, #tpu.memory_space<hbm>>
      tpu.wait_indirect_dma semaphore(%arg36 : memref<!tpu.dma_semaphore, #tpu.memory_space<semaphore_mem>>) src(%dma_wait3A_155 : memref<10240x128xf32, #tpu.memory_space<hbm>>) dst(%arg24 : memref<64x128xf32, #tpu.memory_space<vmem>>)
      "tpu.region"() ({
        %run_scoped3A = tpu.sem_alloc : memref<!tpu.dma_semaphore, #tpu.memory_space<semaphore_mem>>
        %dma_start3A_209 = arith.constant 0 : i32
        %dma_start3A_210 = arith.constant 0 : i32
        %dma_start3A_211 = tpu.memref_slice %arg29[%dma_start3A_209, %dma_start3A_210] : memref<10368x128xf32, #tpu.memory_space<vmem_shared>> -> memref<10368x128xf32, #tpu.memory_space<vmem_shared>>
        tpu.enqueue_indirect_dma source(%arg24 : memref<64x128xf32, #tpu.memory_space<vmem>>) target(%dma_start3A_211 : memref<10368x128xf32, #tpu.memory_space<vmem_shared>>) offsets(%arg16 : memref<64xi32, #tpu.memory_space<vmem>>) semaphore(%run_scoped3A : memref<!tpu.dma_semaphore, #tpu.memory_space<semaphore_mem>>) {add = true}
        %dma_wait3A_212 = arith.constant 0 : i32
        %dma_wait3A_213 = arith.constant 0 : i32
        %dma_wait3A_214 = tpu.memref_slice %arg29[%dma_wait3A_212, %dma_wait3A_213] : memref<10368x128xf32, #tpu.memory_space<vmem_shared>> -> memref<10368x128xf32, #tpu.memory_space<vmem_shared>>
        tpu.wait_indirect_dma semaphore(%run_scoped3A : memref<!tpu.dma_semaphore, #tpu.memory_space<semaphore_mem>>) src(%arg24 : memref<64x128xf32, #tpu.memory_space<vmem>>) dst(%dma_wait3A_214 : memref<10368x128xf32, #tpu.memory_space<vmem_shared>>)
        tpu.yield
      }) : () -> ()
      "tpu.region"() ({
        %run_scoped3A = tpu.sem_alloc : memref<!tpu.dma_semaphore, #tpu.memory_space<semaphore_mem>>
        %dma_start3A_209 = arith.constant 0 : i32
        %dma_start3A_210 = tpu.memref_slice %arg30[%dma_start3A_209] : memref<83968xf32, #tpu.memory_space<vmem_shared>> -> memref<83968xf32, #tpu.memory_space<vmem_shared>>
        tpu.enqueue_indirect_dma source(%arg27 : memref<64xf32, #tpu.memory_space<vmem>>) target(%dma_start3A_210 : memref<83968xf32, #tpu.memory_space<vmem_shared>>) offsets(%arg20 : memref<64xi32, #tpu.memory_space<vmem>>) semaphore(%run_scoped3A : memref<!tpu.dma_semaphore, #tpu.memory_space<semaphore_mem>>) {add = true}
        %dma_wait3A_211 = arith.constant 0 : i32
        %dma_wait3A_212 = tpu.memref_slice %arg30[%dma_wait3A_211] : memref<83968xf32, #tpu.memory_space<vmem_shared>> -> memref<83968xf32, #tpu.memory_space<vmem_shared>>
        tpu.wait_indirect_dma semaphore(%run_scoped3A : memref<!tpu.dma_semaphore, #tpu.memory_space<semaphore_mem>>) src(%arg27 : memref<64xf32, #tpu.memory_space<vmem>>) dst(%dma_wait3A_212 : memref<83968xf32, #tpu.memory_space<vmem_shared>>)
        tpu.yield
      }) : () -> ()
      %add3A_156 = arith.constant 4 : i32
      %add3A_157 = arith.addi %add3A_143, %add3A_156 : i32
      %lt3A_158 = arith.constant 160 : i32
      %lt3A_159 = arith.cmpi slt, %add3A_157, %lt3A_158 : i32
      %convert_element_type3A_160 = arith.extui %lt3A_159 : i1 to i32
      %cond3A_161 = arith.constant 0 : i32
      %cond3A_162 = arith.cmpi ne, %convert_element_type3A_160, %cond3A_161 : i32
      scf.if %cond3A_162 {
        %add3A_209 = arith.constant 4 : i32
        %add3A_210 = arith.addi %add3A_143, %add3A_209 : i32
        %mul3A_211 = arith.constant 64 : i32
        %mul3A_212 = arith.muli %add3A_210, %mul3A_211 : i32
        %add3A_213 = arith.addi %mul3A_2, %mul3A_212 : i32
        %dma_start3A_214 = tpu.memref_slice %arg3[%add3A_213] : memref<327680xi32, #tpu.memory_space<hbm>> -> memref<64xi32, #tpu.memory_space<hbm>>
        %dma_start3A_215 = tpu.memref_slice %arg3[%add3A_213] : memref<327680xi32, #tpu.memory_space<hbm>> -> memref<64xi32, #tpu.memory_space<hbm>>
        tpu.enqueue_dma source(%dma_start3A_215 : memref<64xi32, #tpu.memory_space<hbm>>) target(%arg12 : memref<64xi32, #tpu.memory_space<vmem>>) target_semaphore(%arg32 : memref<!tpu.dma_semaphore, #tpu.memory_space<semaphore_mem>>)
        %mul3A_216 = arith.constant 64 : i32
        %mul3A_217 = arith.muli %add3A_210, %mul3A_216 : i32
        %add3A_218 = arith.addi %mul3A_2, %mul3A_217 : i32
        %dma_start3A_219 = tpu.memref_slice %arg4[%add3A_218] : memref<327680xi32, #tpu.memory_space<hbm>> -> memref<64xi32, #tpu.memory_space<hbm>>
        %dma_start3A_220 = tpu.memref_slice %arg4[%add3A_218] : memref<327680xi32, #tpu.memory_space<hbm>> -> memref<64xi32, #tpu.memory_space<hbm>>
        tpu.enqueue_dma source(%dma_start3A_220 : memref<64xi32, #tpu.memory_space<hbm>>) target(%arg16 : memref<64xi32, #tpu.memory_space<vmem>>) target_semaphore(%arg32 : memref<!tpu.dma_semaphore, #tpu.memory_space<semaphore_mem>>)
        %mul3A_221 = arith.constant 64 : i32
        %mul3A_222 = arith.muli %add3A_210, %mul3A_221 : i32
        %add3A_223 = arith.addi %mul3A_2, %mul3A_222 : i32
        %dma_start3A_224 = tpu.memref_slice %arg5[%add3A_223] : memref<327680xi32, #tpu.memory_space<hbm>> -> memref<64xi32, #tpu.memory_space<hbm>>
        %dma_start3A_225 = tpu.memref_slice %arg5[%add3A_223] : memref<327680xi32, #tpu.memory_space<hbm>> -> memref<64xi32, #tpu.memory_space<hbm>>
        tpu.enqueue_dma source(%dma_start3A_225 : memref<64xi32, #tpu.memory_space<hbm>>) target(%arg20 : memref<64xi32, #tpu.memory_space<vmem>>) target_semaphore(%arg32 : memref<!tpu.dma_semaphore, #tpu.memory_space<semaphore_mem>>)
      } else {
      }
      %mul3A_163 = arith.constant 4 : i32
      %mul3A_164 = arith.muli %scan3A_120, %mul3A_163 : i32
      %add3A_165 = arith.constant 2 : i32
      %add3A_166 = arith.addi %mul3A_164, %add3A_165 : i32
      %add3A_167 = arith.constant 4 : i32
      %add3A_168 = arith.addi %add3A_166, %add3A_167 : i32
      %sub3A_169 = arith.constant 1 : i32
      %sub3A_170 = arith.subi %add3A_168, %sub3A_169 : i32
      %lt3A_171 = arith.constant 160 : i32
      %lt3A_172 = arith.cmpi slt, %sub3A_170, %lt3A_171 : i32
      %convert_element_type3A_173 = arith.extui %lt3A_172 : i1 to i32
      %cond3A_174 = arith.constant 0 : i32
      %cond3A_175 = arith.cmpi ne, %convert_element_type3A_173, %cond3A_174 : i32
      scf.if %cond3A_175 {
        %add3A_209 = arith.constant 4 : i32
        %add3A_210 = arith.addi %add3A_166, %add3A_209 : i32
        %sub3A_211 = arith.constant 1 : i32
        %sub3A_212 = arith.subi %add3A_210, %sub3A_211 : i32
        %mul3A_213 = arith.constant 64 : i32
        %mul3A_214 = arith.muli %sub3A_212, %mul3A_213 : i32
        %add3A_215 = arith.addi %mul3A_2, %mul3A_214 : i32
        %dma_wait3A_216 = tpu.memref_slice %arg3[%add3A_215] : memref<327680xi32, #tpu.memory_space<hbm>> -> memref<64xi32, #tpu.memory_space<hbm>>
        %dma_wait3A_217 = tpu.memref_slice %arg3[%add3A_215] : memref<327680xi32, #tpu.memory_space<hbm>> -> memref<64xi32, #tpu.memory_space<hbm>>
        tpu.wait_dma2 semaphore(%arg32 : memref<!tpu.dma_semaphore, #tpu.memory_space<semaphore_mem>>) src(%dma_wait3A_217 : memref<64xi32, #tpu.memory_space<hbm>>) dst(%arg12 : memref<64xi32, #tpu.memory_space<vmem>>)
        %mul3A_218 = arith.constant 64 : i32
        %mul3A_219 = arith.muli %sub3A_212, %mul3A_218 : i32
        %add3A_220 = arith.addi %mul3A_2, %mul3A_219 : i32
        %dma_wait3A_221 = tpu.memref_slice %arg4[%add3A_220] : memref<327680xi32, #tpu.memory_space<hbm>> -> memref<64xi32, #tpu.memory_space<hbm>>
        %dma_wait3A_222 = tpu.memref_slice %arg4[%add3A_220] : memref<327680xi32, #tpu.memory_space<hbm>> -> memref<64xi32, #tpu.memory_space<hbm>>
        tpu.wait_dma2 semaphore(%arg32 : memref<!tpu.dma_semaphore, #tpu.memory_space<semaphore_mem>>) src(%dma_wait3A_222 : memref<64xi32, #tpu.memory_space<hbm>>) dst(%arg16 : memref<64xi32, #tpu.memory_space<vmem>>)
        %mul3A_223 = arith.constant 64 : i32
        %mul3A_224 = arith.muli %sub3A_212, %mul3A_223 : i32
        %add3A_225 = arith.addi %mul3A_2, %mul3A_224 : i32
        %dma_wait3A_226 = tpu.memref_slice %arg5[%add3A_225] : memref<327680xi32, #tpu.memory_space<hbm>> -> memref<64xi32, #tpu.memory_space<hbm>>
        %dma_wait3A_227 = tpu.memref_slice %arg5[%add3A_225] : memref<327680xi32, #tpu.memory_space<hbm>> -> memref<64xi32, #tpu.memory_space<hbm>>
        tpu.wait_dma2 semaphore(%arg32 : memref<!tpu.dma_semaphore, #tpu.memory_space<semaphore_mem>>) src(%dma_wait3A_227 : memref<64xi32, #tpu.memory_space<hbm>>) dst(%arg20 : memref<64xi32, #tpu.memory_space<vmem>>)
        %dma_start3A_228 = arith.constant 0 : i32
        %dma_start3A_229 = arith.constant 0 : i32
        %dma_start3A_230 = tpu.memref_slice %arg2[%dma_start3A_228, %dma_start3A_229] : memref<10240x128xf32, #tpu.memory_space<hbm>> -> memref<10240x128xf32, #tpu.memory_space<hbm>>
        tpu.enqueue_indirect_dma source(%dma_start3A_230 : memref<10240x128xf32, #tpu.memory_space<hbm>>) target(%arg24 : memref<64x128xf32, #tpu.memory_space<vmem>>) offsets(%arg12 : memref<64xi32, #tpu.memory_space<vmem>>) semaphore(%arg36 : memref<!tpu.dma_semaphore, #tpu.memory_space<semaphore_mem>>)
      } else {
      }
      %dma_wait3A_176 = arith.constant 0 : i32
      %dma_wait3A_177 = arith.constant 0 : i32
      %dma_wait3A_178 = tpu.memref_slice %arg2[%dma_wait3A_176, %dma_wait3A_177] : memref<10240x128xf32, #tpu.memory_space<hbm>> -> memref<10240x128xf32, #tpu.memory_space<hbm>>
      tpu.wait_indirect_dma semaphore(%arg37 : memref<!tpu.dma_semaphore, #tpu.memory_space<semaphore_mem>>) src(%dma_wait3A_178 : memref<10240x128xf32, #tpu.memory_space<hbm>>) dst(%arg25 : memref<64x128xf32, #tpu.memory_space<vmem>>)
      "tpu.region"() ({
        %run_scoped3A = tpu.sem_alloc : memref<!tpu.dma_semaphore, #tpu.memory_space<semaphore_mem>>
        %dma_start3A_209 = arith.constant 0 : i32
        %dma_start3A_210 = arith.constant 0 : i32
        %dma_start3A_211 = tpu.memref_slice %arg29[%dma_start3A_209, %dma_start3A_210] : memref<10368x128xf32, #tpu.memory_space<vmem_shared>> -> memref<10368x128xf32, #tpu.memory_space<vmem_shared>>
        tpu.enqueue_indirect_dma source(%arg25 : memref<64x128xf32, #tpu.memory_space<vmem>>) target(%dma_start3A_211 : memref<10368x128xf32, #tpu.memory_space<vmem_shared>>) offsets(%arg17 : memref<64xi32, #tpu.memory_space<vmem>>) semaphore(%run_scoped3A : memref<!tpu.dma_semaphore, #tpu.memory_space<semaphore_mem>>) {add = true}
        %dma_wait3A_212 = arith.constant 0 : i32
        %dma_wait3A_213 = arith.constant 0 : i32
        %dma_wait3A_214 = tpu.memref_slice %arg29[%dma_wait3A_212, %dma_wait3A_213] : memref<10368x128xf32, #tpu.memory_space<vmem_shared>> -> memref<10368x128xf32, #tpu.memory_space<vmem_shared>>
        tpu.wait_indirect_dma semaphore(%run_scoped3A : memref<!tpu.dma_semaphore, #tpu.memory_space<semaphore_mem>>) src(%arg25 : memref<64x128xf32, #tpu.memory_space<vmem>>) dst(%dma_wait3A_214 : memref<10368x128xf32, #tpu.memory_space<vmem_shared>>)
        tpu.yield
      }) : () -> ()
      "tpu.region"() ({
        %run_scoped3A = tpu.sem_alloc : memref<!tpu.dma_semaphore, #tpu.memory_space<semaphore_mem>>
        %dma_start3A_209 = arith.constant 0 : i32
        %dma_start3A_210 = tpu.memref_slice %arg30[%dma_start3A_209] : memref<83968xf32, #tpu.memory_space<vmem_shared>> -> memref<83968xf32, #tpu.memory_space<vmem_shared>>
        tpu.enqueue_indirect_dma source(%arg27 : memref<64xf32, #tpu.memory_space<vmem>>) target(%dma_start3A_210 : memref<83968xf32, #tpu.memory_space<vmem_shared>>) offsets(%arg21 : memref<64xi32, #tpu.memory_space<vmem>>) semaphore(%run_scoped3A : memref<!tpu.dma_semaphore, #tpu.memory_space<semaphore_mem>>) {add = true}
        %dma_wait3A_211 = arith.constant 0 : i32
        %dma_wait3A_212 = tpu.memref_slice %arg30[%dma_wait3A_211] : memref<83968xf32, #tpu.memory_space<vmem_shared>> -> memref<83968xf32, #tpu.memory_space<vmem_shared>>
        tpu.wait_indirect_dma semaphore(%run_scoped3A : memref<!tpu.dma_semaphore, #tpu.memory_space<semaphore_mem>>) src(%arg27 : memref<64xf32, #tpu.memory_space<vmem>>) dst(%dma_wait3A_212 : memref<83968xf32, #tpu.memory_space<vmem_shared>>)
        tpu.yield
      }) : () -> ()
      %add3A_179 = arith.constant 4 : i32
      %add3A_180 = arith.addi %add3A_166, %add3A_179 : i32
      %lt3A_181 = arith.constant 160 : i32
      %lt3A_182 = arith.cmpi slt, %add3A_180, %lt3A_181 : i32
      %convert_element_type3A_183 = arith.extui %lt3A_182 : i1 to i32
      %cond3A_184 = arith.constant 0 : i32
      %cond3A_185 = arith.cmpi ne, %convert_element_type3A_183, %cond3A_184 : i32
      scf.if %cond3A_185 {
        %add3A_209 = arith.constant 4 : i32
        %add3A_210 = arith.addi %add3A_166, %add3A_209 : i32
        %mul3A_211 = arith.constant 64 : i32
        %mul3A_212 = arith.muli %add3A_210, %mul3A_211 : i32
        %add3A_213 = arith.addi %mul3A_2, %mul3A_212 : i32
        %dma_start3A_214 = tpu.memref_slice %arg3[%add3A_213] : memref<327680xi32, #tpu.memory_space<hbm>> -> memref<64xi32, #tpu.memory_space<hbm>>
        %dma_start3A_215 = tpu.memref_slice %arg3[%add3A_213] : memref<327680xi32, #tpu.memory_space<hbm>> -> memref<64xi32, #tpu.memory_space<hbm>>
        tpu.enqueue_dma source(%dma_start3A_215 : memref<64xi32, #tpu.memory_space<hbm>>) target(%arg13 : memref<64xi32, #tpu.memory_space<vmem>>) target_semaphore(%arg33 : memref<!tpu.dma_semaphore, #tpu.memory_space<semaphore_mem>>)
        %mul3A_216 = arith.constant 64 : i32
        %mul3A_217 = arith.muli %add3A_210, %mul3A_216 : i32
        %add3A_218 = arith.addi %mul3A_2, %mul3A_217 : i32
        %dma_start3A_219 = tpu.memref_slice %arg4[%add3A_218] : memref<327680xi32, #tpu.memory_space<hbm>> -> memref<64xi32, #tpu.memory_space<hbm>>
        %dma_start3A_220 = tpu.memref_slice %arg4[%add3A_218] : memref<327680xi32, #tpu.memory_space<hbm>> -> memref<64xi32, #tpu.memory_space<hbm>>
        tpu.enqueue_dma source(%dma_start3A_220 : memref<64xi32, #tpu.memory_space<hbm>>) target(%arg17 : memref<64xi32, #tpu.memory_space<vmem>>) target_semaphore(%arg33 : memref<!tpu.dma_semaphore, #tpu.memory_space<semaphore_mem>>)
        %mul3A_221 = arith.constant 64 : i32
        %mul3A_222 = arith.muli %add3A_210, %mul3A_221 : i32
        %add3A_223 = arith.addi %mul3A_2, %mul3A_222 : i32
        %dma_start3A_224 = tpu.memref_slice %arg5[%add3A_223] : memref<327680xi32, #tpu.memory_space<hbm>> -> memref<64xi32, #tpu.memory_space<hbm>>
        %dma_start3A_225 = tpu.memref_slice %arg5[%add3A_223] : memref<327680xi32, #tpu.memory_space<hbm>> -> memref<64xi32, #tpu.memory_space<hbm>>
        tpu.enqueue_dma source(%dma_start3A_225 : memref<64xi32, #tpu.memory_space<hbm>>) target(%arg21 : memref<64xi32, #tpu.memory_space<vmem>>) target_semaphore(%arg33 : memref<!tpu.dma_semaphore, #tpu.memory_space<semaphore_mem>>)
      } else {
      }
      %mul3A_186 = arith.constant 4 : i32
      %mul3A_187 = arith.muli %scan3A_120, %mul3A_186 : i32
      %add3A_188 = arith.constant 3 : i32
      %add3A_189 = arith.addi %mul3A_187, %add3A_188 : i32
      %add3A_190 = arith.constant 4 : i32
      %add3A_191 = arith.addi %add3A_189, %add3A_190 : i32
      %sub3A_192 = arith.constant 1 : i32
      %sub3A_193 = arith.subi %add3A_191, %sub3A_192 : i32
      %lt3A_194 = arith.constant 160 : i32
      %lt3A_195 = arith.cmpi slt, %sub3A_193, %lt3A_194 : i32
      %convert_element_type3A_196 = arith.extui %lt3A_195 : i1 to i32
      %cond3A_197 = arith.constant 0 : i32
      %cond3A_198 = arith.cmpi ne, %convert_element_type3A_196, %cond3A_197 : i32
      scf.if %cond3A_198 {
        %add3A_209 = arith.constant 4 : i32
        %add3A_210 = arith.addi %add3A_189, %add3A_209 : i32
        %sub3A_211 = arith.constant 1 : i32
        %sub3A_212 = arith.subi %add3A_210, %sub3A_211 : i32
        %mul3A_213 = arith.constant 64 : i32
        %mul3A_214 = arith.muli %sub3A_212, %mul3A_213 : i32
        %add3A_215 = arith.addi %mul3A_2, %mul3A_214 : i32
        %dma_wait3A_216 = tpu.memref_slice %arg3[%add3A_215] : memref<327680xi32, #tpu.memory_space<hbm>> -> memref<64xi32, #tpu.memory_space<hbm>>
        %dma_wait3A_217 = tpu.memref_slice %arg3[%add3A_215] : memref<327680xi32, #tpu.memory_space<hbm>> -> memref<64xi32, #tpu.memory_space<hbm>>
        tpu.wait_dma2 semaphore(%arg33 : memref<!tpu.dma_semaphore, #tpu.memory_space<semaphore_mem>>) src(%dma_wait3A_217 : memref<64xi32, #tpu.memory_space<hbm>>) dst(%arg13 : memref<64xi32, #tpu.memory_space<vmem>>)
        %mul3A_218 = arith.constant 64 : i32
        %mul3A_219 = arith.muli %sub3A_212, %mul3A_218 : i32
        %add3A_220 = arith.addi %mul3A_2, %mul3A_219 : i32
        %dma_wait3A_221 = tpu.memref_slice %arg4[%add3A_220] : memref<327680xi32, #tpu.memory_space<hbm>> -> memref<64xi32, #tpu.memory_space<hbm>>
        %dma_wait3A_222 = tpu.memref_slice %arg4[%add3A_220] : memref<327680xi32, #tpu.memory_space<hbm>> -> memref<64xi32, #tpu.memory_space<hbm>>
        tpu.wait_dma2 semaphore(%arg33 : memref<!tpu.dma_semaphore, #tpu.memory_space<semaphore_mem>>) src(%dma_wait3A_222 : memref<64xi32, #tpu.memory_space<hbm>>) dst(%arg17 : memref<64xi32, #tpu.memory_space<vmem>>)
        %mul3A_223 = arith.constant 64 : i32
        %mul3A_224 = arith.muli %sub3A_212, %mul3A_223 : i32
        %add3A_225 = arith.addi %mul3A_2, %mul3A_224 : i32
        %dma_wait3A_226 = tpu.memref_slice %arg5[%add3A_225] : memref<327680xi32, #tpu.memory_space<hbm>> -> memref<64xi32, #tpu.memory_space<hbm>>
        %dma_wait3A_227 = tpu.memref_slice %arg5[%add3A_225] : memref<327680xi32, #tpu.memory_space<hbm>> -> memref<64xi32, #tpu.memory_space<hbm>>
        tpu.wait_dma2 semaphore(%arg33 : memref<!tpu.dma_semaphore, #tpu.memory_space<semaphore_mem>>) src(%dma_wait3A_227 : memref<64xi32, #tpu.memory_space<hbm>>) dst(%arg21 : memref<64xi32, #tpu.memory_space<vmem>>)
        %dma_start3A_228 = arith.constant 0 : i32
        %dma_start3A_229 = arith.constant 0 : i32
        %dma_start3A_230 = tpu.memref_slice %arg2[%dma_start3A_228, %dma_start3A_229] : memref<10240x128xf32, #tpu.memory_space<hbm>> -> memref<10240x128xf32, #tpu.memory_space<hbm>>
        tpu.enqueue_indirect_dma source(%dma_start3A_230 : memref<10240x128xf32, #tpu.memory_space<hbm>>) target(%arg25 : memref<64x128xf32, #tpu.memory_space<vmem>>) offsets(%arg13 : memref<64xi32, #tpu.memory_space<vmem>>) semaphore(%arg37 : memref<!tpu.dma_semaphore, #tpu.memory_space<semaphore_mem>>)
      } else {
      }
      %dma_wait3A_199 = arith.constant 0 : i32
      %dma_wait3A_200 = arith.constant 0 : i32
      %dma_wait3A_201 = tpu.memref_slice %arg2[%dma_wait3A_199, %dma_wait3A_200] : memref<10240x128xf32, #tpu.memory_space<hbm>> -> memref<10240x128xf32, #tpu.memory_space<hbm>>
      tpu.wait_indirect_dma semaphore(%arg38 : memref<!tpu.dma_semaphore, #tpu.memory_space<semaphore_mem>>) src(%dma_wait3A_201 : memref<10240x128xf32, #tpu.memory_space<hbm>>) dst(%arg26 : memref<64x128xf32, #tpu.memory_space<vmem>>)
      "tpu.region"() ({
        %run_scoped3A = tpu.sem_alloc : memref<!tpu.dma_semaphore, #tpu.memory_space<semaphore_mem>>
        %dma_start3A_209 = arith.constant 0 : i32
        %dma_start3A_210 = arith.constant 0 : i32
        %dma_start3A_211 = tpu.memref_slice %arg29[%dma_start3A_209, %dma_start3A_210] : memref<10368x128xf32, #tpu.memory_space<vmem_shared>> -> memref<10368x128xf32, #tpu.memory_space<vmem_shared>>
        tpu.enqueue_indirect_dma source(%arg26 : memref<64x128xf32, #tpu.memory_space<vmem>>) target(%dma_start3A_211 : memref<10368x128xf32, #tpu.memory_space<vmem_shared>>) offsets(%arg18 : memref<64xi32, #tpu.memory_space<vmem>>) semaphore(%run_scoped3A : memref<!tpu.dma_semaphore, #tpu.memory_space<semaphore_mem>>) {add = true}
        %dma_wait3A_212 = arith.constant 0 : i32
        %dma_wait3A_213 = arith.constant 0 : i32
        %dma_wait3A_214 = tpu.memref_slice %arg29[%dma_wait3A_212, %dma_wait3A_213] : memref<10368x128xf32, #tpu.memory_space<vmem_shared>> -> memref<10368x128xf32, #tpu.memory_space<vmem_shared>>
        tpu.wait_indirect_dma semaphore(%run_scoped3A : memref<!tpu.dma_semaphore, #tpu.memory_space<semaphore_mem>>) src(%arg26 : memref<64x128xf32, #tpu.memory_space<vmem>>) dst(%dma_wait3A_214 : memref<10368x128xf32, #tpu.memory_space<vmem_shared>>)
        tpu.yield
      }) : () -> ()
      "tpu.region"() ({
        %run_scoped3A = tpu.sem_alloc : memref<!tpu.dma_semaphore, #tpu.memory_space<semaphore_mem>>
        %dma_start3A_209 = arith.constant 0 : i32
        %dma_start3A_210 = tpu.memref_slice %arg30[%dma_start3A_209] : memref<83968xf32, #tpu.memory_space<vmem_shared>> -> memref<83968xf32, #tpu.memory_space<vmem_shared>>
        tpu.enqueue_indirect_dma source(%arg27 : memref<64xf32, #tpu.memory_space<vmem>>) target(%dma_start3A_210 : memref<83968xf32, #tpu.memory_space<vmem_shared>>) offsets(%arg22 : memref<64xi32, #tpu.memory_space<vmem>>) semaphore(%run_scoped3A : memref<!tpu.dma_semaphore, #tpu.memory_space<semaphore_mem>>) {add = true}
        %dma_wait3A_211 = arith.constant 0 : i32
        %dma_wait3A_212 = tpu.memref_slice %arg30[%dma_wait3A_211] : memref<83968xf32, #tpu.memory_space<vmem_shared>> -> memref<83968xf32, #tpu.memory_space<vmem_shared>>
        tpu.wait_indirect_dma semaphore(%run_scoped3A : memref<!tpu.dma_semaphore, #tpu.memory_space<semaphore_mem>>) src(%arg27 : memref<64xf32, #tpu.memory_space<vmem>>) dst(%dma_wait3A_212 : memref<83968xf32, #tpu.memory_space<vmem_shared>>)
        tpu.yield
      }) : () -> ()
      %add3A_202 = arith.constant 4 : i32
      %add3A_203 = arith.addi %add3A_189, %add3A_202 : i32
      %lt3A_204 = arith.constant 160 : i32
      %lt3A_205 = arith.cmpi slt, %add3A_203, %lt3A_204 : i32
      %convert_element_type3A_206 = arith.extui %lt3A_205 : i1 to i32
      %cond3A_207 = arith.constant 0 : i32
      %cond3A_208 = arith.cmpi ne, %convert_element_type3A_206, %cond3A_207 : i32
      scf.if %cond3A_208 {
        %add3A_209 = arith.constant 4 : i32
        %add3A_210 = arith.addi %add3A_189, %add3A_209 : i32
        %mul3A_211 = arith.constant 64 : i32
        %mul3A_212 = arith.muli %add3A_210, %mul3A_211 : i32
        %add3A_213 = arith.addi %mul3A_2, %mul3A_212 : i32
        %dma_start3A_214 = tpu.memref_slice %arg3[%add3A_213] : memref<327680xi32, #tpu.memory_space<hbm>> -> memref<64xi32, #tpu.memory_space<hbm>>
        %dma_start3A_215 = tpu.memref_slice %arg3[%add3A_213] : memref<327680xi32, #tpu.memory_space<hbm>> -> memref<64xi32, #tpu.memory_space<hbm>>
        tpu.enqueue_dma source(%dma_start3A_215 : memref<64xi32, #tpu.memory_space<hbm>>) target(%arg14 : memref<64xi32, #tpu.memory_space<vmem>>) target_semaphore(%arg34 : memref<!tpu.dma_semaphore, #tpu.memory_space<semaphore_mem>>)
        %mul3A_216 = arith.constant 64 : i32
        %mul3A_217 = arith.muli %add3A_210, %mul3A_216 : i32
        %add3A_218 = arith.addi %mul3A_2, %mul3A_217 : i32
        %dma_start3A_219 = tpu.memref_slice %arg4[%add3A_218] : memref<327680xi32, #tpu.memory_space<hbm>> -> memref<64xi32, #tpu.memory_space<hbm>>
        %dma_start3A_220 = tpu.memref_slice %arg4[%add3A_218] : memref<327680xi32, #tpu.memory_space<hbm>> -> memref<64xi32, #tpu.memory_space<hbm>>
        tpu.enqueue_dma source(%dma_start3A_220 : memref<64xi32, #tpu.memory_space<hbm>>) target(%arg18 : memref<64xi32, #tpu.memory_space<vmem>>) target_semaphore(%arg34 : memref<!tpu.dma_semaphore, #tpu.memory_space<semaphore_mem>>)
        %mul3A_221 = arith.constant 64 : i32
        %mul3A_222 = arith.muli %add3A_210, %mul3A_221 : i32
        %add3A_223 = arith.addi %mul3A_2, %mul3A_222 : i32
        %dma_start3A_224 = tpu.memref_slice %arg5[%add3A_223] : memref<327680xi32, #tpu.memory_space<hbm>> -> memref<64xi32, #tpu.memory_space<hbm>>
        %dma_start3A_225 = tpu.memref_slice %arg5[%add3A_223] : memref<327680xi32, #tpu.memory_space<hbm>> -> memref<64xi32, #tpu.memory_space<hbm>>
        tpu.enqueue_dma source(%dma_start3A_225 : memref<64xi32, #tpu.memory_space<hbm>>) target(%arg22 : memref<64xi32, #tpu.memory_space<vmem>>) target_semaphore(%arg34 : memref<!tpu.dma_semaphore, #tpu.memory_space<semaphore_mem>>)
      } else {
      }
    }
    %scan3A_102 = arith.constant 40 : i32
    %barrier3A_103 = arith.constant 0 : index
    tpu.barrier barrier_id(%barrier3A_103)
    %mul3A_104 = arith.constant 640 : i32
    %mul3A_105 = arith.muli %arg1, %mul3A_104 : i32
    %mul3A_106 = arith.constant 10240 : i32
    %mul3A_107 = arith.muli %arg0, %mul3A_106 : i32
    %mul3A_108 = arith.constant 640 : i32
    %mul3A_109 = arith.muli %arg1, %mul3A_108 : i32
    %add3A_110 = arith.addi %mul3A_107, %mul3A_109 : i32
    "tpu.region"() ({
      %run_scoped3A = tpu.sem_alloc : memref<!tpu.dma_semaphore, #tpu.memory_space<semaphore_mem>>
      %dma_start3A_120 = arith.constant 0 : i32
      %dma_start3A_121 = tpu.memref_slice %arg9[%add3A_110, %dma_start3A_120] : memref<20480x128xf32, #tpu.memory_space<hbm>> -> memref<640x128xf32, #tpu.memory_space<hbm>>
      %dma_start3A_122 = arith.constant 0 : i32
      %dma_start3A_123 = tpu.memref_slice %arg29[%mul3A_105, %dma_start3A_122] : memref<10368x128xf32, #tpu.memory_space<vmem_shared>> -> memref<640x128xf32, #tpu.memory_space<vmem_shared>>
      tpu.enqueue_dma source(%dma_start3A_123 : memref<640x128xf32, #tpu.memory_space<vmem_shared>>) target(%dma_start3A_121 : memref<640x128xf32, #tpu.memory_space<hbm>>) target_semaphore(%run_scoped3A : memref<!tpu.dma_semaphore, #tpu.memory_space<semaphore_mem>>)
      %dma_wait3A_124 = arith.constant 0 : i32
      %dma_wait3A_125 = tpu.memref_slice %arg9[%add3A_110, %dma_wait3A_124] : memref<20480x128xf32, #tpu.memory_space<hbm>> -> memref<640x128xf32, #tpu.memory_space<hbm>>
      %dma_wait3A_126 = arith.constant 0 : i32
      %dma_wait3A_127 = tpu.memref_slice %arg29[%mul3A_105, %dma_wait3A_126] : memref<10368x128xf32, #tpu.memory_space<vmem_shared>> -> memref<640x128xf32, #tpu.memory_space<vmem_shared>>
      tpu.wait_dma2 semaphore(%run_scoped3A : memref<!tpu.dma_semaphore, #tpu.memory_space<semaphore_mem>>) src(%dma_wait3A_127 : memref<640x128xf32, #tpu.memory_space<vmem_shared>>) dst(%dma_wait3A_125 : memref<640x128xf32, #tpu.memory_space<hbm>>)
      tpu.yield
    }) : () -> ()
    %mul3A_111 = arith.constant 5248 : i32
    %mul3A_112 = arith.muli %arg1, %mul3A_111 : i32
    "tpu.region"() ({
      %run_scoped3A = tpu.sem_alloc : memref<!tpu.dma_semaphore, #tpu.memory_space<semaphore_mem>>
      %dma_start3A_120 = tpu.memref_slice %arg30[%mul3A_112] : memref<83968xf32, #tpu.memory_space<vmem_shared>> -> memref<5248xf32, #tpu.memory_space<vmem_shared>>
      %dma_start3A_121 = tpu.memref_slice %arg30[%mul3A_112] : memref<83968xf32, #tpu.memory_space<vmem_shared>> -> memref<5248xf32, #tpu.memory_space<vmem_shared>>
      tpu.enqueue_dma source(%dma_start3A_121 : memref<5248xf32, #tpu.memory_space<vmem_shared>>) target(%arg28 : memref<5248xf32, #tpu.memory_space<vmem>>) target_semaphore(%run_scoped3A : memref<!tpu.dma_semaphore, #tpu.memory_space<semaphore_mem>>)
      %dma_wait3A_122 = tpu.memref_slice %arg30[%mul3A_112] : memref<83968xf32, #tpu.memory_space<vmem_shared>> -> memref<5248xf32, #tpu.memory_space<vmem_shared>>
      %dma_wait3A_123 = tpu.memref_slice %arg30[%mul3A_112] : memref<83968xf32, #tpu.memory_space<vmem_shared>> -> memref<5248xf32, #tpu.memory_space<vmem_shared>>
      tpu.wait_dma2 semaphore(%run_scoped3A : memref<!tpu.dma_semaphore, #tpu.memory_space<semaphore_mem>>) src(%dma_wait3A_123 : memref<5248xf32, #tpu.memory_space<vmem_shared>>) dst(%arg28 : memref<5248xf32, #tpu.memory_space<vmem>>)
      tpu.yield
    }) : () -> ()
    %mul3A_113 = arith.constant 10496 : i32
    %mul3A_114 = arith.muli %arg0, %mul3A_113 : i32
    %mul3A_115 = arith.constant 8 : i32
    %mul3A_116 = arith.muli %mul3A_114, %mul3A_115 : i32
    %mul3A_117 = arith.constant 5248 : i32
    %mul3A_118 = arith.muli %arg1, %mul3A_117 : i32
    %add3A_119 = arith.addi %mul3A_116, %mul3A_118 : i32
    "tpu.region"() ({
      %run_scoped3A = tpu.sem_alloc : memref<!tpu.dma_semaphore, #tpu.memory_space<semaphore_mem>>
      %dma_start3A_120 = tpu.memref_slice %arg10[%add3A_119] : memref<167936xf32, #tpu.memory_space<hbm>> -> memref<5248xf32, #tpu.memory_space<hbm>>
      %dma_start3A_121 = tpu.memref_slice %arg10[%add3A_119] : memref<167936xf32, #tpu.memory_space<hbm>> -> memref<5248xf32, #tpu.memory_space<hbm>>
      tpu.enqueue_dma source(%arg28 : memref<5248xf32, #tpu.memory_space<vmem>>) target(%dma_start3A_121 : memref<5248xf32, #tpu.memory_space<hbm>>) target_semaphore(%run_scoped3A : memref<!tpu.dma_semaphore, #tpu.memory_space<semaphore_mem>>)
      %dma_wait3A_122 = tpu.memref_slice %arg10[%add3A_119] : memref<167936xf32, #tpu.memory_space<hbm>> -> memref<5248xf32, #tpu.memory_space<hbm>>
      %dma_wait3A_123 = tpu.memref_slice %arg10[%add3A_119] : memref<167936xf32, #tpu.memory_space<hbm>> -> memref<5248xf32, #tpu.memory_space<hbm>>
      tpu.wait_dma2 semaphore(%run_scoped3A : memref<!tpu.dma_semaphore, #tpu.memory_space<semaphore_mem>>) src(%arg28 : memref<5248xf32, #tpu.memory_space<vmem>>) dst(%dma_wait3A_123 : memref<5248xf32, #tpu.memory_space<hbm>>)
      tpu.yield
    }) : () -> ()
    return
  }
}

#map = affine_map<(d0, d1) -> (0, 0)>
#map1 = affine_map<(d0, d1) -> (0)>
module attributes {stable_mosaic.version = 14 : i64} {
  func.func @_agg2_body(%arg0: i32, %arg1: i32, %arg2: memref<20480x128xf32, #tpu.memory_space<hbm>>, %arg3: memref<655360xi32, #tpu.memory_space<hbm>>, %arg4: memref<327680xi32, #tpu.memory_space<hbm>>, %arg5: memref<648x128xf32, #tpu.memory_space<hbm>>, %arg6: memref<20480x128xf32, #tpu.memory_space<hbm>>, %arg7: memref<64xi32, #tpu.memory_space<vmem>>, %arg8: memref<64xi32, #tpu.memory_space<vmem>>, %arg9: memref<64xi32, #tpu.memory_space<vmem>>, %arg10: memref<64xi32, #tpu.memory_space<vmem>>, %arg11: memref<64xi32, #tpu.memory_space<vmem>>, %arg12: memref<64xi32, #tpu.memory_space<vmem>>, %arg13: memref<64xi32, #tpu.memory_space<vmem>>, %arg14: memref<64xi32, #tpu.memory_space<vmem>>, %arg15: memref<64x128xf32, #tpu.memory_space<vmem>>, %arg16: memref<64x128xf32, #tpu.memory_space<vmem>>, %arg17: memref<64x128xf32, #tpu.memory_space<vmem>>, %arg18: memref<64x128xf32, #tpu.memory_space<vmem>>, %arg19: memref<10368x128xf32, #tpu.memory_space<vmem_shared>>, %arg20: memref<!tpu.dma_semaphore, #tpu.memory_space<semaphore_mem>>, %arg21: memref<!tpu.dma_semaphore, #tpu.memory_space<semaphore_mem>>, %arg22: memref<!tpu.dma_semaphore, #tpu.memory_space<semaphore_mem>>, %arg23: memref<!tpu.dma_semaphore, #tpu.memory_space<semaphore_mem>>, %arg24: memref<!tpu.dma_semaphore, #tpu.memory_space<semaphore_mem>>, %arg25: memref<!tpu.dma_semaphore, #tpu.memory_space<semaphore_mem>>, %arg26: memref<!tpu.dma_semaphore, #tpu.memory_space<semaphore_mem>>, %arg27: memref<!tpu.dma_semaphore, #tpu.memory_space<semaphore_mem>>) attributes {dimension_semantics = [#tpu.dimension_semantics<core_parallel>, #tpu.dimension_semantics<subcore_parallel>], iteration_bounds = array<i64: 2, 16>, scalar_prefetch = 0 : i64, scratch_operands = 21 : i64, tpu.core_type = #tpu.core_type<sc_vector_subcore>, window_params = [{transform_indices = #map}, {transform_indices = #map1}, {transform_indices = #map1}, {transform_indices = #map}, {transform_indices = #map}]} {
    %mul3A = arith.constant 327680 : i32
    %mul3A_0 = arith.muli %arg0, %mul3A : i32
    %mul3A_1 = arith.constant 20480 : i32
    %mul3A_2 = arith.muli %arg1, %mul3A_1 : i32
    %add3A = arith.addi %mul3A_0, %mul3A_2 : i32
    %mul3A_3 = arith.constant 20480 : i32
    %mul3A_4 = arith.muli %arg1, %mul3A_3 : i32
    %mul3A_5 = arith.constant 648 : i32
    %mul3A_6 = arith.muli %arg1, %mul3A_5 : i32
    "tpu.region"() ({
      %run_scoped3A = tpu.sem_alloc : memref<!tpu.dma_semaphore, #tpu.memory_space<semaphore_mem>>
      %dma_start3A_83 = arith.constant 0 : i32
      %dma_start3A_84 = tpu.memref_slice %arg19[%mul3A_6, %dma_start3A_83] : memref<10368x128xf32, #tpu.memory_space<vmem_shared>> -> memref<648x128xf32, #tpu.memory_space<vmem_shared>>
      tpu.enqueue_dma source(%arg5 : memref<648x128xf32, #tpu.memory_space<hbm>>) target(%dma_start3A_84 : memref<648x128xf32, #tpu.memory_space<vmem_shared>>) target_semaphore(%run_scoped3A : memref<!tpu.dma_semaphore, #tpu.memory_space<semaphore_mem>>)
      %dma_wait3A_85 = arith.constant 0 : i32
      %dma_wait3A_86 = tpu.memref_slice %arg19[%mul3A_6, %dma_wait3A_85] : memref<10368x128xf32, #tpu.memory_space<vmem_shared>> -> memref<648x128xf32, #tpu.memory_space<vmem_shared>>
      tpu.wait_dma2 semaphore(%run_scoped3A : memref<!tpu.dma_semaphore, #tpu.memory_space<semaphore_mem>>) src(%arg5 : memref<648x128xf32, #tpu.memory_space<hbm>>) dst(%dma_wait3A_86 : memref<648x128xf32, #tpu.memory_space<vmem_shared>>)
      tpu.yield
    }) : () -> ()
    %barrier3A = arith.constant 0 : index
    tpu.barrier barrier_id(%barrier3A)
    %add3A_7 = arith.constant 0 : i32
    %add3A_8 = arith.addi %add3A, %add3A_7 : i32
    %dma_start3A = tpu.memref_slice %arg3[%add3A_8] : memref<655360xi32, #tpu.memory_space<hbm>> -> memref<64xi32, #tpu.memory_space<hbm>>
    %dma_start3A_9 = tpu.memref_slice %arg3[%add3A_8] : memref<655360xi32, #tpu.memory_space<hbm>> -> memref<64xi32, #tpu.memory_space<hbm>>
    tpu.enqueue_dma source(%dma_start3A_9 : memref<64xi32, #tpu.memory_space<hbm>>) target(%arg7 : memref<64xi32, #tpu.memory_space<vmem>>) target_semaphore(%arg20 : memref<!tpu.dma_semaphore, #tpu.memory_space<semaphore_mem>>)
    %add3A_10 = arith.constant 0 : i32
    %add3A_11 = arith.addi %mul3A_4, %add3A_10 : i32
    %dma_start3A_12 = tpu.memref_slice %arg4[%add3A_11] : memref<327680xi32, #tpu.memory_space<hbm>> -> memref<64xi32, #tpu.memory_space<hbm>>
    %dma_start3A_13 = tpu.memref_slice %arg4[%add3A_11] : memref<327680xi32, #tpu.memory_space<hbm>> -> memref<64xi32, #tpu.memory_space<hbm>>
    tpu.enqueue_dma source(%dma_start3A_13 : memref<64xi32, #tpu.memory_space<hbm>>) target(%arg11 : memref<64xi32, #tpu.memory_space<vmem>>) target_semaphore(%arg20 : memref<!tpu.dma_semaphore, #tpu.memory_space<semaphore_mem>>)
    %add3A_14 = arith.constant 64 : i32
    %add3A_15 = arith.addi %add3A, %add3A_14 : i32
    %dma_start3A_16 = tpu.memref_slice %arg3[%add3A_15] : memref<655360xi32, #tpu.memory_space<hbm>> -> memref<64xi32, #tpu.memory_space<hbm>>
    %dma_start3A_17 = tpu.memref_slice %arg3[%add3A_15] : memref<655360xi32, #tpu.memory_space<hbm>> -> memref<64xi32, #tpu.memory_space<hbm>>
    tpu.enqueue_dma source(%dma_start3A_17 : memref<64xi32, #tpu.memory_space<hbm>>) target(%arg8 : memref<64xi32, #tpu.memory_space<vmem>>) target_semaphore(%arg21 : memref<!tpu.dma_semaphore, #tpu.memory_space<semaphore_mem>>)
    %add3A_18 = arith.constant 64 : i32
    %add3A_19 = arith.addi %mul3A_4, %add3A_18 : i32
    %dma_start3A_20 = tpu.memref_slice %arg4[%add3A_19] : memref<327680xi32, #tpu.memory_space<hbm>> -> memref<64xi32, #tpu.memory_space<hbm>>
    %dma_start3A_21 = tpu.memref_slice %arg4[%add3A_19] : memref<327680xi32, #tpu.memory_space<hbm>> -> memref<64xi32, #tpu.memory_space<hbm>>
    tpu.enqueue_dma source(%dma_start3A_21 : memref<64xi32, #tpu.memory_space<hbm>>) target(%arg12 : memref<64xi32, #tpu.memory_space<vmem>>) target_semaphore(%arg21 : memref<!tpu.dma_semaphore, #tpu.memory_space<semaphore_mem>>)
    %add3A_22 = arith.constant 128 : i32
    %add3A_23 = arith.addi %add3A, %add3A_22 : i32
    %dma_start3A_24 = tpu.memref_slice %arg3[%add3A_23] : memref<655360xi32, #tpu.memory_space<hbm>> -> memref<64xi32, #tpu.memory_space<hbm>>
    %dma_start3A_25 = tpu.memref_slice %arg3[%add3A_23] : memref<655360xi32, #tpu.memory_space<hbm>> -> memref<64xi32, #tpu.memory_space<hbm>>
    tpu.enqueue_dma source(%dma_start3A_25 : memref<64xi32, #tpu.memory_space<hbm>>) target(%arg9 : memref<64xi32, #tpu.memory_space<vmem>>) target_semaphore(%arg22 : memref<!tpu.dma_semaphore, #tpu.memory_space<semaphore_mem>>)
    %add3A_26 = arith.constant 128 : i32
    %add3A_27 = arith.addi %mul3A_4, %add3A_26 : i32
    %dma_start3A_28 = tpu.memref_slice %arg4[%add3A_27] : memref<327680xi32, #tpu.memory_space<hbm>> -> memref<64xi32, #tpu.memory_space<hbm>>
    %dma_start3A_29 = tpu.memref_slice %arg4[%add3A_27] : memref<327680xi32, #tpu.memory_space<hbm>> -> memref<64xi32, #tpu.memory_space<hbm>>
    tpu.enqueue_dma source(%dma_start3A_29 : memref<64xi32, #tpu.memory_space<hbm>>) target(%arg13 : memref<64xi32, #tpu.memory_space<vmem>>) target_semaphore(%arg22 : memref<!tpu.dma_semaphore, #tpu.memory_space<semaphore_mem>>)
    %add3A_30 = arith.constant 192 : i32
    %add3A_31 = arith.addi %add3A, %add3A_30 : i32
    %dma_start3A_32 = tpu.memref_slice %arg3[%add3A_31] : memref<655360xi32, #tpu.memory_space<hbm>> -> memref<64xi32, #tpu.memory_space<hbm>>
    %dma_start3A_33 = tpu.memref_slice %arg3[%add3A_31] : memref<655360xi32, #tpu.memory_space<hbm>> -> memref<64xi32, #tpu.memory_space<hbm>>
    tpu.enqueue_dma source(%dma_start3A_33 : memref<64xi32, #tpu.memory_space<hbm>>) target(%arg10 : memref<64xi32, #tpu.memory_space<vmem>>) target_semaphore(%arg23 : memref<!tpu.dma_semaphore, #tpu.memory_space<semaphore_mem>>)
    %add3A_34 = arith.constant 192 : i32
    %add3A_35 = arith.addi %mul3A_4, %add3A_34 : i32
    %dma_start3A_36 = tpu.memref_slice %arg4[%add3A_35] : memref<327680xi32, #tpu.memory_space<hbm>> -> memref<64xi32, #tpu.memory_space<hbm>>
    %dma_start3A_37 = tpu.memref_slice %arg4[%add3A_35] : memref<327680xi32, #tpu.memory_space<hbm>> -> memref<64xi32, #tpu.memory_space<hbm>>
    tpu.enqueue_dma source(%dma_start3A_37 : memref<64xi32, #tpu.memory_space<hbm>>) target(%arg14 : memref<64xi32, #tpu.memory_space<vmem>>) target_semaphore(%arg23 : memref<!tpu.dma_semaphore, #tpu.memory_space<semaphore_mem>>)
    %add3A_38 = arith.constant 0 : i32
    %add3A_39 = arith.addi %add3A, %add3A_38 : i32
    %dma_wait3A = tpu.memref_slice %arg3[%add3A_39] : memref<655360xi32, #tpu.memory_space<hbm>> -> memref<64xi32, #tpu.memory_space<hbm>>
    %dma_wait3A_40 = tpu.memref_slice %arg3[%add3A_39] : memref<655360xi32, #tpu.memory_space<hbm>> -> memref<64xi32, #tpu.memory_space<hbm>>
    tpu.wait_dma2 semaphore(%arg20 : memref<!tpu.dma_semaphore, #tpu.memory_space<semaphore_mem>>) src(%dma_wait3A_40 : memref<64xi32, #tpu.memory_space<hbm>>) dst(%arg7 : memref<64xi32, #tpu.memory_space<vmem>>)
    %add3A_41 = arith.constant 0 : i32
    %add3A_42 = arith.addi %mul3A_4, %add3A_41 : i32
    %dma_wait3A_43 = tpu.memref_slice %arg4[%add3A_42] : memref<327680xi32, #tpu.memory_space<hbm>> -> memref<64xi32, #tpu.memory_space<hbm>>
    %dma_wait3A_44 = tpu.memref_slice %arg4[%add3A_42] : memref<327680xi32, #tpu.memory_space<hbm>> -> memref<64xi32, #tpu.memory_space<hbm>>
    tpu.wait_dma2 semaphore(%arg20 : memref<!tpu.dma_semaphore, #tpu.memory_space<semaphore_mem>>) src(%dma_wait3A_44 : memref<64xi32, #tpu.memory_space<hbm>>) dst(%arg11 : memref<64xi32, #tpu.memory_space<vmem>>)
    %dma_start3A_45 = arith.constant 0 : i32
    %dma_start3A_46 = arith.constant 0 : i32
    %dma_start3A_47 = tpu.memref_slice %arg2[%dma_start3A_45, %dma_start3A_46] : memref<20480x128xf32, #tpu.memory_space<hbm>> -> memref<20480x128xf32, #tpu.memory_space<hbm>>
    tpu.enqueue_indirect_dma source(%dma_start3A_47 : memref<20480x128xf32, #tpu.memory_space<hbm>>) target(%arg15 : memref<64x128xf32, #tpu.memory_space<vmem>>) offsets(%arg7 : memref<64xi32, #tpu.memory_space<vmem>>) semaphore(%arg24 : memref<!tpu.dma_semaphore, #tpu.memory_space<semaphore_mem>>)
    %add3A_48 = arith.constant 64 : i32
    %add3A_49 = arith.addi %add3A, %add3A_48 : i32
    %dma_wait3A_50 = tpu.memref_slice %arg3[%add3A_49] : memref<655360xi32, #tpu.memory_space<hbm>> -> memref<64xi32, #tpu.memory_space<hbm>>
    %dma_wait3A_51 = tpu.memref_slice %arg3[%add3A_49] : memref<655360xi32, #tpu.memory_space<hbm>> -> memref<64xi32, #tpu.memory_space<hbm>>
    tpu.wait_dma2 semaphore(%arg21 : memref<!tpu.dma_semaphore, #tpu.memory_space<semaphore_mem>>) src(%dma_wait3A_51 : memref<64xi32, #tpu.memory_space<hbm>>) dst(%arg8 : memref<64xi32, #tpu.memory_space<vmem>>)
    %add3A_52 = arith.constant 64 : i32
    %add3A_53 = arith.addi %mul3A_4, %add3A_52 : i32
    %dma_wait3A_54 = tpu.memref_slice %arg4[%add3A_53] : memref<327680xi32, #tpu.memory_space<hbm>> -> memref<64xi32, #tpu.memory_space<hbm>>
    %dma_wait3A_55 = tpu.memref_slice %arg4[%add3A_53] : memref<327680xi32, #tpu.memory_space<hbm>> -> memref<64xi32, #tpu.memory_space<hbm>>
    tpu.wait_dma2 semaphore(%arg21 : memref<!tpu.dma_semaphore, #tpu.memory_space<semaphore_mem>>) src(%dma_wait3A_55 : memref<64xi32, #tpu.memory_space<hbm>>) dst(%arg12 : memref<64xi32, #tpu.memory_space<vmem>>)
    %dma_start3A_56 = arith.constant 0 : i32
    %dma_start3A_57 = arith.constant 0 : i32
    %dma_start3A_58 = tpu.memref_slice %arg2[%dma_start3A_56, %dma_start3A_57] : memref<20480x128xf32, #tpu.memory_space<hbm>> -> memref<20480x128xf32, #tpu.memory_space<hbm>>
    tpu.enqueue_indirect_dma source(%dma_start3A_58 : memref<20480x128xf32, #tpu.memory_space<hbm>>) target(%arg16 : memref<64x128xf32, #tpu.memory_space<vmem>>) offsets(%arg8 : memref<64xi32, #tpu.memory_space<vmem>>) semaphore(%arg25 : memref<!tpu.dma_semaphore, #tpu.memory_space<semaphore_mem>>)
    %add3A_59 = arith.constant 128 : i32
    %add3A_60 = arith.addi %add3A, %add3A_59 : i32
    %dma_wait3A_61 = tpu.memref_slice %arg3[%add3A_60] : memref<655360xi32, #tpu.memory_space<hbm>> -> memref<64xi32, #tpu.memory_space<hbm>>
    %dma_wait3A_62 = tpu.memref_slice %arg3[%add3A_60] : memref<655360xi32, #tpu.memory_space<hbm>> -> memref<64xi32, #tpu.memory_space<hbm>>
    tpu.wait_dma2 semaphore(%arg22 : memref<!tpu.dma_semaphore, #tpu.memory_space<semaphore_mem>>) src(%dma_wait3A_62 : memref<64xi32, #tpu.memory_space<hbm>>) dst(%arg9 : memref<64xi32, #tpu.memory_space<vmem>>)
    %add3A_63 = arith.constant 128 : i32
    %add3A_64 = arith.addi %mul3A_4, %add3A_63 : i32
    %dma_wait3A_65 = tpu.memref_slice %arg4[%add3A_64] : memref<327680xi32, #tpu.memory_space<hbm>> -> memref<64xi32, #tpu.memory_space<hbm>>
    %dma_wait3A_66 = tpu.memref_slice %arg4[%add3A_64] : memref<327680xi32, #tpu.memory_space<hbm>> -> memref<64xi32, #tpu.memory_space<hbm>>
    tpu.wait_dma2 semaphore(%arg22 : memref<!tpu.dma_semaphore, #tpu.memory_space<semaphore_mem>>) src(%dma_wait3A_66 : memref<64xi32, #tpu.memory_space<hbm>>) dst(%arg13 : memref<64xi32, #tpu.memory_space<vmem>>)
    %dma_start3A_67 = arith.constant 0 : i32
    %dma_start3A_68 = arith.constant 0 : i32
    %dma_start3A_69 = tpu.memref_slice %arg2[%dma_start3A_67, %dma_start3A_68] : memref<20480x128xf32, #tpu.memory_space<hbm>> -> memref<20480x128xf32, #tpu.memory_space<hbm>>
    tpu.enqueue_indirect_dma source(%dma_start3A_69 : memref<20480x128xf32, #tpu.memory_space<hbm>>) target(%arg17 : memref<64x128xf32, #tpu.memory_space<vmem>>) offsets(%arg9 : memref<64xi32, #tpu.memory_space<vmem>>) semaphore(%arg26 : memref<!tpu.dma_semaphore, #tpu.memory_space<semaphore_mem>>)
    %scan3A = arith.constant 0 : i32
    %scan3A_70 = arith.constant 0 : i32
    %scan3A_71 = arith.constant 80 : i32
    %scan3A_72 = arith.addi %scan3A_70, %scan3A_71 : i32
    %scan3A_73 = arith.constant 1 : i32
    scf.for %scan3A_83 = %scan3A_70 to %scan3A_72 step %scan3A_73  : i32 {
      %mul3A_84 = arith.constant 4 : i32
      %mul3A_85 = arith.muli %scan3A_83, %mul3A_84 : i32
      %add3A_86 = arith.constant 0 : i32
      %add3A_87 = arith.addi %mul3A_85, %add3A_86 : i32
      %add3A_88 = arith.constant 4 : i32
      %add3A_89 = arith.addi %add3A_87, %add3A_88 : i32
      %sub3A = arith.constant 1 : i32
      %sub3A_90 = arith.subi %add3A_89, %sub3A : i32
      %lt3A = arith.constant 320 : i32
      %lt3A_91 = arith.cmpi slt, %sub3A_90, %lt3A : i32
      %convert_element_type3A = arith.extui %lt3A_91 : i1 to i32
      %cond3A = arith.constant 0 : i32
      %cond3A_92 = arith.cmpi ne, %convert_element_type3A, %cond3A : i32
      scf.if %cond3A_92 {
        %add3A_172 = arith.constant 4 : i32
        %add3A_173 = arith.addi %add3A_87, %add3A_172 : i32
        %sub3A_174 = arith.constant 1 : i32
        %sub3A_175 = arith.subi %add3A_173, %sub3A_174 : i32
        %mul3A_176 = arith.constant 64 : i32
        %mul3A_177 = arith.muli %sub3A_175, %mul3A_176 : i32
        %add3A_178 = arith.addi %add3A, %mul3A_177 : i32
        %dma_wait3A_179 = tpu.memref_slice %arg3[%add3A_178] : memref<655360xi32, #tpu.memory_space<hbm>> -> memref<64xi32, #tpu.memory_space<hbm>>
        %dma_wait3A_180 = tpu.memref_slice %arg3[%add3A_178] : memref<655360xi32, #tpu.memory_space<hbm>> -> memref<64xi32, #tpu.memory_space<hbm>>
        tpu.wait_dma2 semaphore(%arg23 : memref<!tpu.dma_semaphore, #tpu.memory_space<semaphore_mem>>) src(%dma_wait3A_180 : memref<64xi32, #tpu.memory_space<hbm>>) dst(%arg10 : memref<64xi32, #tpu.memory_space<vmem>>)
        %mul3A_181 = arith.constant 64 : i32
        %mul3A_182 = arith.muli %sub3A_175, %mul3A_181 : i32
        %add3A_183 = arith.addi %mul3A_4, %mul3A_182 : i32
        %dma_wait3A_184 = tpu.memref_slice %arg4[%add3A_183] : memref<327680xi32, #tpu.memory_space<hbm>> -> memref<64xi32, #tpu.memory_space<hbm>>
        %dma_wait3A_185 = tpu.memref_slice %arg4[%add3A_183] : memref<327680xi32, #tpu.memory_space<hbm>> -> memref<64xi32, #tpu.memory_space<hbm>>
        tpu.wait_dma2 semaphore(%arg23 : memref<!tpu.dma_semaphore, #tpu.memory_space<semaphore_mem>>) src(%dma_wait3A_185 : memref<64xi32, #tpu.memory_space<hbm>>) dst(%arg14 : memref<64xi32, #tpu.memory_space<vmem>>)
        %dma_start3A_186 = arith.constant 0 : i32
        %dma_start3A_187 = arith.constant 0 : i32
        %dma_start3A_188 = tpu.memref_slice %arg2[%dma_start3A_186, %dma_start3A_187] : memref<20480x128xf32, #tpu.memory_space<hbm>> -> memref<20480x128xf32, #tpu.memory_space<hbm>>
        tpu.enqueue_indirect_dma source(%dma_start3A_188 : memref<20480x128xf32, #tpu.memory_space<hbm>>) target(%arg18 : memref<64x128xf32, #tpu.memory_space<vmem>>) offsets(%arg10 : memref<64xi32, #tpu.memory_space<vmem>>) semaphore(%arg27 : memref<!tpu.dma_semaphore, #tpu.memory_space<semaphore_mem>>)
      } else {
      }
      %dma_wait3A_93 = arith.constant 0 : i32
      %dma_wait3A_94 = arith.constant 0 : i32
      %dma_wait3A_95 = tpu.memref_slice %arg2[%dma_wait3A_93, %dma_wait3A_94] : memref<20480x128xf32, #tpu.memory_space<hbm>> -> memref<20480x128xf32, #tpu.memory_space<hbm>>
      tpu.wait_indirect_dma semaphore(%arg24 : memref<!tpu.dma_semaphore, #tpu.memory_space<semaphore_mem>>) src(%dma_wait3A_95 : memref<20480x128xf32, #tpu.memory_space<hbm>>) dst(%arg15 : memref<64x128xf32, #tpu.memory_space<vmem>>)
      "tpu.region"() ({
        %run_scoped3A = tpu.sem_alloc : memref<!tpu.dma_semaphore, #tpu.memory_space<semaphore_mem>>
        %dma_start3A_172 = arith.constant 0 : i32
        %dma_start3A_173 = arith.constant 0 : i32
        %dma_start3A_174 = tpu.memref_slice %arg19[%dma_start3A_172, %dma_start3A_173] : memref<10368x128xf32, #tpu.memory_space<vmem_shared>> -> memref<10368x128xf32, #tpu.memory_space<vmem_shared>>
        tpu.enqueue_indirect_dma source(%arg15 : memref<64x128xf32, #tpu.memory_space<vmem>>) target(%dma_start3A_174 : memref<10368x128xf32, #tpu.memory_space<vmem_shared>>) offsets(%arg11 : memref<64xi32, #tpu.memory_space<vmem>>) semaphore(%run_scoped3A : memref<!tpu.dma_semaphore, #tpu.memory_space<semaphore_mem>>) {add = true}
        %dma_wait3A_175 = arith.constant 0 : i32
        %dma_wait3A_176 = arith.constant 0 : i32
        %dma_wait3A_177 = tpu.memref_slice %arg19[%dma_wait3A_175, %dma_wait3A_176] : memref<10368x128xf32, #tpu.memory_space<vmem_shared>> -> memref<10368x128xf32, #tpu.memory_space<vmem_shared>>
        tpu.wait_indirect_dma semaphore(%run_scoped3A : memref<!tpu.dma_semaphore, #tpu.memory_space<semaphore_mem>>) src(%arg15 : memref<64x128xf32, #tpu.memory_space<vmem>>) dst(%dma_wait3A_177 : memref<10368x128xf32, #tpu.memory_space<vmem_shared>>)
        tpu.yield
      }) : () -> ()
      %add3A_96 = arith.constant 4 : i32
      %add3A_97 = arith.addi %add3A_87, %add3A_96 : i32
      %lt3A_98 = arith.constant 320 : i32
      %lt3A_99 = arith.cmpi slt, %add3A_97, %lt3A_98 : i32
      %convert_element_type3A_100 = arith.extui %lt3A_99 : i1 to i32
      %cond3A_101 = arith.constant 0 : i32
      %cond3A_102 = arith.cmpi ne, %convert_element_type3A_100, %cond3A_101 : i32
      scf.if %cond3A_102 {
        %add3A_172 = arith.constant 4 : i32
        %add3A_173 = arith.addi %add3A_87, %add3A_172 : i32
        %mul3A_174 = arith.constant 64 : i32
        %mul3A_175 = arith.muli %add3A_173, %mul3A_174 : i32
        %add3A_176 = arith.addi %add3A, %mul3A_175 : i32
        %dma_start3A_177 = tpu.memref_slice %arg3[%add3A_176] : memref<655360xi32, #tpu.memory_space<hbm>> -> memref<64xi32, #tpu.memory_space<hbm>>
        %dma_start3A_178 = tpu.memref_slice %arg3[%add3A_176] : memref<655360xi32, #tpu.memory_space<hbm>> -> memref<64xi32, #tpu.memory_space<hbm>>
        tpu.enqueue_dma source(%dma_start3A_178 : memref<64xi32, #tpu.memory_space<hbm>>) target(%arg7 : memref<64xi32, #tpu.memory_space<vmem>>) target_semaphore(%arg20 : memref<!tpu.dma_semaphore, #tpu.memory_space<semaphore_mem>>)
        %mul3A_179 = arith.constant 64 : i32
        %mul3A_180 = arith.muli %add3A_173, %mul3A_179 : i32
        %add3A_181 = arith.addi %mul3A_4, %mul3A_180 : i32
        %dma_start3A_182 = tpu.memref_slice %arg4[%add3A_181] : memref<327680xi32, #tpu.memory_space<hbm>> -> memref<64xi32, #tpu.memory_space<hbm>>
        %dma_start3A_183 = tpu.memref_slice %arg4[%add3A_181] : memref<327680xi32, #tpu.memory_space<hbm>> -> memref<64xi32, #tpu.memory_space<hbm>>
        tpu.enqueue_dma source(%dma_start3A_183 : memref<64xi32, #tpu.memory_space<hbm>>) target(%arg11 : memref<64xi32, #tpu.memory_space<vmem>>) target_semaphore(%arg20 : memref<!tpu.dma_semaphore, #tpu.memory_space<semaphore_mem>>)
      } else {
      }
      %mul3A_103 = arith.constant 4 : i32
      %mul3A_104 = arith.muli %scan3A_83, %mul3A_103 : i32
      %add3A_105 = arith.constant 1 : i32
      %add3A_106 = arith.addi %mul3A_104, %add3A_105 : i32
      %add3A_107 = arith.constant 4 : i32
      %add3A_108 = arith.addi %add3A_106, %add3A_107 : i32
      %sub3A_109 = arith.constant 1 : i32
      %sub3A_110 = arith.subi %add3A_108, %sub3A_109 : i32
      %lt3A_111 = arith.constant 320 : i32
      %lt3A_112 = arith.cmpi slt, %sub3A_110, %lt3A_111 : i32
      %convert_element_type3A_113 = arith.extui %lt3A_112 : i1 to i32
      %cond3A_114 = arith.constant 0 : i32
      %cond3A_115 = arith.cmpi ne, %convert_element_type3A_113, %cond3A_114 : i32
      scf.if %cond3A_115 {
        %add3A_172 = arith.constant 4 : i32
        %add3A_173 = arith.addi %add3A_106, %add3A_172 : i32
        %sub3A_174 = arith.constant 1 : i32
        %sub3A_175 = arith.subi %add3A_173, %sub3A_174 : i32
        %mul3A_176 = arith.constant 64 : i32
        %mul3A_177 = arith.muli %sub3A_175, %mul3A_176 : i32
        %add3A_178 = arith.addi %add3A, %mul3A_177 : i32
        %dma_wait3A_179 = tpu.memref_slice %arg3[%add3A_178] : memref<655360xi32, #tpu.memory_space<hbm>> -> memref<64xi32, #tpu.memory_space<hbm>>
        %dma_wait3A_180 = tpu.memref_slice %arg3[%add3A_178] : memref<655360xi32, #tpu.memory_space<hbm>> -> memref<64xi32, #tpu.memory_space<hbm>>
        tpu.wait_dma2 semaphore(%arg20 : memref<!tpu.dma_semaphore, #tpu.memory_space<semaphore_mem>>) src(%dma_wait3A_180 : memref<64xi32, #tpu.memory_space<hbm>>) dst(%arg7 : memref<64xi32, #tpu.memory_space<vmem>>)
        %mul3A_181 = arith.constant 64 : i32
        %mul3A_182 = arith.muli %sub3A_175, %mul3A_181 : i32
        %add3A_183 = arith.addi %mul3A_4, %mul3A_182 : i32
        %dma_wait3A_184 = tpu.memref_slice %arg4[%add3A_183] : memref<327680xi32, #tpu.memory_space<hbm>> -> memref<64xi32, #tpu.memory_space<hbm>>
        %dma_wait3A_185 = tpu.memref_slice %arg4[%add3A_183] : memref<327680xi32, #tpu.memory_space<hbm>> -> memref<64xi32, #tpu.memory_space<hbm>>
        tpu.wait_dma2 semaphore(%arg20 : memref<!tpu.dma_semaphore, #tpu.memory_space<semaphore_mem>>) src(%dma_wait3A_185 : memref<64xi32, #tpu.memory_space<hbm>>) dst(%arg11 : memref<64xi32, #tpu.memory_space<vmem>>)
        %dma_start3A_186 = arith.constant 0 : i32
        %dma_start3A_187 = arith.constant 0 : i32
        %dma_start3A_188 = tpu.memref_slice %arg2[%dma_start3A_186, %dma_start3A_187] : memref<20480x128xf32, #tpu.memory_space<hbm>> -> memref<20480x128xf32, #tpu.memory_space<hbm>>
        tpu.enqueue_indirect_dma source(%dma_start3A_188 : memref<20480x128xf32, #tpu.memory_space<hbm>>) target(%arg15 : memref<64x128xf32, #tpu.memory_space<vmem>>) offsets(%arg7 : memref<64xi32, #tpu.memory_space<vmem>>) semaphore(%arg24 : memref<!tpu.dma_semaphore, #tpu.memory_space<semaphore_mem>>)
      } else {
      }
      %dma_wait3A_116 = arith.constant 0 : i32
      %dma_wait3A_117 = arith.constant 0 : i32
      %dma_wait3A_118 = tpu.memref_slice %arg2[%dma_wait3A_116, %dma_wait3A_117] : memref<20480x128xf32, #tpu.memory_space<hbm>> -> memref<20480x128xf32, #tpu.memory_space<hbm>>
      tpu.wait_indirect_dma semaphore(%arg25 : memref<!tpu.dma_semaphore, #tpu.memory_space<semaphore_mem>>) src(%dma_wait3A_118 : memref<20480x128xf32, #tpu.memory_space<hbm>>) dst(%arg16 : memref<64x128xf32, #tpu.memory_space<vmem>>)
      "tpu.region"() ({
        %run_scoped3A = tpu.sem_alloc : memref<!tpu.dma_semaphore, #tpu.memory_space<semaphore_mem>>
        %dma_start3A_172 = arith.constant 0 : i32
        %dma_start3A_173 = arith.constant 0 : i32
        %dma_start3A_174 = tpu.memref_slice %arg19[%dma_start3A_172, %dma_start3A_173] : memref<10368x128xf32, #tpu.memory_space<vmem_shared>> -> memref<10368x128xf32, #tpu.memory_space<vmem_shared>>
        tpu.enqueue_indirect_dma source(%arg16 : memref<64x128xf32, #tpu.memory_space<vmem>>) target(%dma_start3A_174 : memref<10368x128xf32, #tpu.memory_space<vmem_shared>>) offsets(%arg12 : memref<64xi32, #tpu.memory_space<vmem>>) semaphore(%run_scoped3A : memref<!tpu.dma_semaphore, #tpu.memory_space<semaphore_mem>>) {add = true}
        %dma_wait3A_175 = arith.constant 0 : i32
        %dma_wait3A_176 = arith.constant 0 : i32
        %dma_wait3A_177 = tpu.memref_slice %arg19[%dma_wait3A_175, %dma_wait3A_176] : memref<10368x128xf32, #tpu.memory_space<vmem_shared>> -> memref<10368x128xf32, #tpu.memory_space<vmem_shared>>
        tpu.wait_indirect_dma semaphore(%run_scoped3A : memref<!tpu.dma_semaphore, #tpu.memory_space<semaphore_mem>>) src(%arg16 : memref<64x128xf32, #tpu.memory_space<vmem>>) dst(%dma_wait3A_177 : memref<10368x128xf32, #tpu.memory_space<vmem_shared>>)
        tpu.yield
      }) : () -> ()
      %add3A_119 = arith.constant 4 : i32
      %add3A_120 = arith.addi %add3A_106, %add3A_119 : i32
      %lt3A_121 = arith.constant 320 : i32
      %lt3A_122 = arith.cmpi slt, %add3A_120, %lt3A_121 : i32
      %convert_element_type3A_123 = arith.extui %lt3A_122 : i1 to i32
      %cond3A_124 = arith.constant 0 : i32
      %cond3A_125 = arith.cmpi ne, %convert_element_type3A_123, %cond3A_124 : i32
      scf.if %cond3A_125 {
        %add3A_172 = arith.constant 4 : i32
        %add3A_173 = arith.addi %add3A_106, %add3A_172 : i32
        %mul3A_174 = arith.constant 64 : i32
        %mul3A_175 = arith.muli %add3A_173, %mul3A_174 : i32
        %add3A_176 = arith.addi %add3A, %mul3A_175 : i32
        %dma_start3A_177 = tpu.memref_slice %arg3[%add3A_176] : memref<655360xi32, #tpu.memory_space<hbm>> -> memref<64xi32, #tpu.memory_space<hbm>>
        %dma_start3A_178 = tpu.memref_slice %arg3[%add3A_176] : memref<655360xi32, #tpu.memory_space<hbm>> -> memref<64xi32, #tpu.memory_space<hbm>>
        tpu.enqueue_dma source(%dma_start3A_178 : memref<64xi32, #tpu.memory_space<hbm>>) target(%arg8 : memref<64xi32, #tpu.memory_space<vmem>>) target_semaphore(%arg21 : memref<!tpu.dma_semaphore, #tpu.memory_space<semaphore_mem>>)
        %mul3A_179 = arith.constant 64 : i32
        %mul3A_180 = arith.muli %add3A_173, %mul3A_179 : i32
        %add3A_181 = arith.addi %mul3A_4, %mul3A_180 : i32
        %dma_start3A_182 = tpu.memref_slice %arg4[%add3A_181] : memref<327680xi32, #tpu.memory_space<hbm>> -> memref<64xi32, #tpu.memory_space<hbm>>
        %dma_start3A_183 = tpu.memref_slice %arg4[%add3A_181] : memref<327680xi32, #tpu.memory_space<hbm>> -> memref<64xi32, #tpu.memory_space<hbm>>
        tpu.enqueue_dma source(%dma_start3A_183 : memref<64xi32, #tpu.memory_space<hbm>>) target(%arg12 : memref<64xi32, #tpu.memory_space<vmem>>) target_semaphore(%arg21 : memref<!tpu.dma_semaphore, #tpu.memory_space<semaphore_mem>>)
      } else {
      }
      %mul3A_126 = arith.constant 4 : i32
      %mul3A_127 = arith.muli %scan3A_83, %mul3A_126 : i32
      %add3A_128 = arith.constant 2 : i32
      %add3A_129 = arith.addi %mul3A_127, %add3A_128 : i32
      %add3A_130 = arith.constant 4 : i32
      %add3A_131 = arith.addi %add3A_129, %add3A_130 : i32
      %sub3A_132 = arith.constant 1 : i32
      %sub3A_133 = arith.subi %add3A_131, %sub3A_132 : i32
      %lt3A_134 = arith.constant 320 : i32
      %lt3A_135 = arith.cmpi slt, %sub3A_133, %lt3A_134 : i32
      %convert_element_type3A_136 = arith.extui %lt3A_135 : i1 to i32
      %cond3A_137 = arith.constant 0 : i32
      %cond3A_138 = arith.cmpi ne, %convert_element_type3A_136, %cond3A_137 : i32
      scf.if %cond3A_138 {
        %add3A_172 = arith.constant 4 : i32
        %add3A_173 = arith.addi %add3A_129, %add3A_172 : i32
        %sub3A_174 = arith.constant 1 : i32
        %sub3A_175 = arith.subi %add3A_173, %sub3A_174 : i32
        %mul3A_176 = arith.constant 64 : i32
        %mul3A_177 = arith.muli %sub3A_175, %mul3A_176 : i32
        %add3A_178 = arith.addi %add3A, %mul3A_177 : i32
        %dma_wait3A_179 = tpu.memref_slice %arg3[%add3A_178] : memref<655360xi32, #tpu.memory_space<hbm>> -> memref<64xi32, #tpu.memory_space<hbm>>
        %dma_wait3A_180 = tpu.memref_slice %arg3[%add3A_178] : memref<655360xi32, #tpu.memory_space<hbm>> -> memref<64xi32, #tpu.memory_space<hbm>>
        tpu.wait_dma2 semaphore(%arg21 : memref<!tpu.dma_semaphore, #tpu.memory_space<semaphore_mem>>) src(%dma_wait3A_180 : memref<64xi32, #tpu.memory_space<hbm>>) dst(%arg8 : memref<64xi32, #tpu.memory_space<vmem>>)
        %mul3A_181 = arith.constant 64 : i32
        %mul3A_182 = arith.muli %sub3A_175, %mul3A_181 : i32
        %add3A_183 = arith.addi %mul3A_4, %mul3A_182 : i32
        %dma_wait3A_184 = tpu.memref_slice %arg4[%add3A_183] : memref<327680xi32, #tpu.memory_space<hbm>> -> memref<64xi32, #tpu.memory_space<hbm>>
        %dma_wait3A_185 = tpu.memref_slice %arg4[%add3A_183] : memref<327680xi32, #tpu.memory_space<hbm>> -> memref<64xi32, #tpu.memory_space<hbm>>
        tpu.wait_dma2 semaphore(%arg21 : memref<!tpu.dma_semaphore, #tpu.memory_space<semaphore_mem>>) src(%dma_wait3A_185 : memref<64xi32, #tpu.memory_space<hbm>>) dst(%arg12 : memref<64xi32, #tpu.memory_space<vmem>>)
        %dma_start3A_186 = arith.constant 0 : i32
        %dma_start3A_187 = arith.constant 0 : i32
        %dma_start3A_188 = tpu.memref_slice %arg2[%dma_start3A_186, %dma_start3A_187] : memref<20480x128xf32, #tpu.memory_space<hbm>> -> memref<20480x128xf32, #tpu.memory_space<hbm>>
        tpu.enqueue_indirect_dma source(%dma_start3A_188 : memref<20480x128xf32, #tpu.memory_space<hbm>>) target(%arg16 : memref<64x128xf32, #tpu.memory_space<vmem>>) offsets(%arg8 : memref<64xi32, #tpu.memory_space<vmem>>) semaphore(%arg25 : memref<!tpu.dma_semaphore, #tpu.memory_space<semaphore_mem>>)
      } else {
      }
      %dma_wait3A_139 = arith.constant 0 : i32
      %dma_wait3A_140 = arith.constant 0 : i32
      %dma_wait3A_141 = tpu.memref_slice %arg2[%dma_wait3A_139, %dma_wait3A_140] : memref<20480x128xf32, #tpu.memory_space<hbm>> -> memref<20480x128xf32, #tpu.memory_space<hbm>>
      tpu.wait_indirect_dma semaphore(%arg26 : memref<!tpu.dma_semaphore, #tpu.memory_space<semaphore_mem>>) src(%dma_wait3A_141 : memref<20480x128xf32, #tpu.memory_space<hbm>>) dst(%arg17 : memref<64x128xf32, #tpu.memory_space<vmem>>)
      "tpu.region"() ({
        %run_scoped3A = tpu.sem_alloc : memref<!tpu.dma_semaphore, #tpu.memory_space<semaphore_mem>>
        %dma_start3A_172 = arith.constant 0 : i32
        %dma_start3A_173 = arith.constant 0 : i32
        %dma_start3A_174 = tpu.memref_slice %arg19[%dma_start3A_172, %dma_start3A_173] : memref<10368x128xf32, #tpu.memory_space<vmem_shared>> -> memref<10368x128xf32, #tpu.memory_space<vmem_shared>>
        tpu.enqueue_indirect_dma source(%arg17 : memref<64x128xf32, #tpu.memory_space<vmem>>) target(%dma_start3A_174 : memref<10368x128xf32, #tpu.memory_space<vmem_shared>>) offsets(%arg13 : memref<64xi32, #tpu.memory_space<vmem>>) semaphore(%run_scoped3A : memref<!tpu.dma_semaphore, #tpu.memory_space<semaphore_mem>>) {add = true}
        %dma_wait3A_175 = arith.constant 0 : i32
        %dma_wait3A_176 = arith.constant 0 : i32
        %dma_wait3A_177 = tpu.memref_slice %arg19[%dma_wait3A_175, %dma_wait3A_176] : memref<10368x128xf32, #tpu.memory_space<vmem_shared>> -> memref<10368x128xf32, #tpu.memory_space<vmem_shared>>
        tpu.wait_indirect_dma semaphore(%run_scoped3A : memref<!tpu.dma_semaphore, #tpu.memory_space<semaphore_mem>>) src(%arg17 : memref<64x128xf32, #tpu.memory_space<vmem>>) dst(%dma_wait3A_177 : memref<10368x128xf32, #tpu.memory_space<vmem_shared>>)
        tpu.yield
      }) : () -> ()
      %add3A_142 = arith.constant 4 : i32
      %add3A_143 = arith.addi %add3A_129, %add3A_142 : i32
      %lt3A_144 = arith.constant 320 : i32
      %lt3A_145 = arith.cmpi slt, %add3A_143, %lt3A_144 : i32
      %convert_element_type3A_146 = arith.extui %lt3A_145 : i1 to i32
      %cond3A_147 = arith.constant 0 : i32
      %cond3A_148 = arith.cmpi ne, %convert_element_type3A_146, %cond3A_147 : i32
      scf.if %cond3A_148 {
        %add3A_172 = arith.constant 4 : i32
        %add3A_173 = arith.addi %add3A_129, %add3A_172 : i32
        %mul3A_174 = arith.constant 64 : i32
        %mul3A_175 = arith.muli %add3A_173, %mul3A_174 : i32
        %add3A_176 = arith.addi %add3A, %mul3A_175 : i32
        %dma_start3A_177 = tpu.memref_slice %arg3[%add3A_176] : memref<655360xi32, #tpu.memory_space<hbm>> -> memref<64xi32, #tpu.memory_space<hbm>>
        %dma_start3A_178 = tpu.memref_slice %arg3[%add3A_176] : memref<655360xi32, #tpu.memory_space<hbm>> -> memref<64xi32, #tpu.memory_space<hbm>>
        tpu.enqueue_dma source(%dma_start3A_178 : memref<64xi32, #tpu.memory_space<hbm>>) target(%arg9 : memref<64xi32, #tpu.memory_space<vmem>>) target_semaphore(%arg22 : memref<!tpu.dma_semaphore, #tpu.memory_space<semaphore_mem>>)
        %mul3A_179 = arith.constant 64 : i32
        %mul3A_180 = arith.muli %add3A_173, %mul3A_179 : i32
        %add3A_181 = arith.addi %mul3A_4, %mul3A_180 : i32
        %dma_start3A_182 = tpu.memref_slice %arg4[%add3A_181] : memref<327680xi32, #tpu.memory_space<hbm>> -> memref<64xi32, #tpu.memory_space<hbm>>
        %dma_start3A_183 = tpu.memref_slice %arg4[%add3A_181] : memref<327680xi32, #tpu.memory_space<hbm>> -> memref<64xi32, #tpu.memory_space<hbm>>
        tpu.enqueue_dma source(%dma_start3A_183 : memref<64xi32, #tpu.memory_space<hbm>>) target(%arg13 : memref<64xi32, #tpu.memory_space<vmem>>) target_semaphore(%arg22 : memref<!tpu.dma_semaphore, #tpu.memory_space<semaphore_mem>>)
      } else {
      }
      %mul3A_149 = arith.constant 4 : i32
      %mul3A_150 = arith.muli %scan3A_83, %mul3A_149 : i32
      %add3A_151 = arith.constant 3 : i32
      %add3A_152 = arith.addi %mul3A_150, %add3A_151 : i32
      %add3A_153 = arith.constant 4 : i32
      %add3A_154 = arith.addi %add3A_152, %add3A_153 : i32
      %sub3A_155 = arith.constant 1 : i32
      %sub3A_156 = arith.subi %add3A_154, %sub3A_155 : i32
      %lt3A_157 = arith.constant 320 : i32
      %lt3A_158 = arith.cmpi slt, %sub3A_156, %lt3A_157 : i32
      %convert_element_type3A_159 = arith.extui %lt3A_158 : i1 to i32
      %cond3A_160 = arith.constant 0 : i32
      %cond3A_161 = arith.cmpi ne, %convert_element_type3A_159, %cond3A_160 : i32
      scf.if %cond3A_161 {
        %add3A_172 = arith.constant 4 : i32
        %add3A_173 = arith.addi %add3A_152, %add3A_172 : i32
        %sub3A_174 = arith.constant 1 : i32
        %sub3A_175 = arith.subi %add3A_173, %sub3A_174 : i32
        %mul3A_176 = arith.constant 64 : i32
        %mul3A_177 = arith.muli %sub3A_175, %mul3A_176 : i32
        %add3A_178 = arith.addi %add3A, %mul3A_177 : i32
        %dma_wait3A_179 = tpu.memref_slice %arg3[%add3A_178] : memref<655360xi32, #tpu.memory_space<hbm>> -> memref<64xi32, #tpu.memory_space<hbm>>
        %dma_wait3A_180 = tpu.memref_slice %arg3[%add3A_178] : memref<655360xi32, #tpu.memory_space<hbm>> -> memref<64xi32, #tpu.memory_space<hbm>>
        tpu.wait_dma2 semaphore(%arg22 : memref<!tpu.dma_semaphore, #tpu.memory_space<semaphore_mem>>) src(%dma_wait3A_180 : memref<64xi32, #tpu.memory_space<hbm>>) dst(%arg9 : memref<64xi32, #tpu.memory_space<vmem>>)
        %mul3A_181 = arith.constant 64 : i32
        %mul3A_182 = arith.muli %sub3A_175, %mul3A_181 : i32
        %add3A_183 = arith.addi %mul3A_4, %mul3A_182 : i32
        %dma_wait3A_184 = tpu.memref_slice %arg4[%add3A_183] : memref<327680xi32, #tpu.memory_space<hbm>> -> memref<64xi32, #tpu.memory_space<hbm>>
        %dma_wait3A_185 = tpu.memref_slice %arg4[%add3A_183] : memref<327680xi32, #tpu.memory_space<hbm>> -> memref<64xi32, #tpu.memory_space<hbm>>
        tpu.wait_dma2 semaphore(%arg22 : memref<!tpu.dma_semaphore, #tpu.memory_space<semaphore_mem>>) src(%dma_wait3A_185 : memref<64xi32, #tpu.memory_space<hbm>>) dst(%arg13 : memref<64xi32, #tpu.memory_space<vmem>>)
        %dma_start3A_186 = arith.constant 0 : i32
        %dma_start3A_187 = arith.constant 0 : i32
        %dma_start3A_188 = tpu.memref_slice %arg2[%dma_start3A_186, %dma_start3A_187] : memref<20480x128xf32, #tpu.memory_space<hbm>> -> memref<20480x128xf32, #tpu.memory_space<hbm>>
        tpu.enqueue_indirect_dma source(%dma_start3A_188 : memref<20480x128xf32, #tpu.memory_space<hbm>>) target(%arg17 : memref<64x128xf32, #tpu.memory_space<vmem>>) offsets(%arg9 : memref<64xi32, #tpu.memory_space<vmem>>) semaphore(%arg26 : memref<!tpu.dma_semaphore, #tpu.memory_space<semaphore_mem>>)
      } else {
      }
      %dma_wait3A_162 = arith.constant 0 : i32
      %dma_wait3A_163 = arith.constant 0 : i32
      %dma_wait3A_164 = tpu.memref_slice %arg2[%dma_wait3A_162, %dma_wait3A_163] : memref<20480x128xf32, #tpu.memory_space<hbm>> -> memref<20480x128xf32, #tpu.memory_space<hbm>>
      tpu.wait_indirect_dma semaphore(%arg27 : memref<!tpu.dma_semaphore, #tpu.memory_space<semaphore_mem>>) src(%dma_wait3A_164 : memref<20480x128xf32, #tpu.memory_space<hbm>>) dst(%arg18 : memref<64x128xf32, #tpu.memory_space<vmem>>)
      "tpu.region"() ({
        %run_scoped3A = tpu.sem_alloc : memref<!tpu.dma_semaphore, #tpu.memory_space<semaphore_mem>>
        %dma_start3A_172 = arith.constant 0 : i32
        %dma_start3A_173 = arith.constant 0 : i32
        %dma_start3A_174 = tpu.memref_slice %arg19[%dma_start3A_172, %dma_start3A_173] : memref<10368x128xf32, #tpu.memory_space<vmem_shared>> -> memref<10368x128xf32, #tpu.memory_space<vmem_shared>>
        tpu.enqueue_indirect_dma source(%arg18 : memref<64x128xf32, #tpu.memory_space<vmem>>) target(%dma_start3A_174 : memref<10368x128xf32, #tpu.memory_space<vmem_shared>>) offsets(%arg14 : memref<64xi32, #tpu.memory_space<vmem>>) semaphore(%run_scoped3A : memref<!tpu.dma_semaphore, #tpu.memory_space<semaphore_mem>>) {add = true}
        %dma_wait3A_175 = arith.constant 0 : i32
        %dma_wait3A_176 = arith.constant 0 : i32
        %dma_wait3A_177 = tpu.memref_slice %arg19[%dma_wait3A_175, %dma_wait3A_176] : memref<10368x128xf32, #tpu.memory_space<vmem_shared>> -> memref<10368x128xf32, #tpu.memory_space<vmem_shared>>
        tpu.wait_indirect_dma semaphore(%run_scoped3A : memref<!tpu.dma_semaphore, #tpu.memory_space<semaphore_mem>>) src(%arg18 : memref<64x128xf32, #tpu.memory_space<vmem>>) dst(%dma_wait3A_177 : memref<10368x128xf32, #tpu.memory_space<vmem_shared>>)
        tpu.yield
      }) : () -> ()
      %add3A_165 = arith.constant 4 : i32
      %add3A_166 = arith.addi %add3A_152, %add3A_165 : i32
      %lt3A_167 = arith.constant 320 : i32
      %lt3A_168 = arith.cmpi slt, %add3A_166, %lt3A_167 : i32
      %convert_element_type3A_169 = arith.extui %lt3A_168 : i1 to i32
      %cond3A_170 = arith.constant 0 : i32
      %cond3A_171 = arith.cmpi ne, %convert_element_type3A_169, %cond3A_170 : i32
      scf.if %cond3A_171 {
        %add3A_172 = arith.constant 4 : i32
        %add3A_173 = arith.addi %add3A_152, %add3A_172 : i32
        %mul3A_174 = arith.constant 64 : i32
        %mul3A_175 = arith.muli %add3A_173, %mul3A_174 : i32
        %add3A_176 = arith.addi %add3A, %mul3A_175 : i32
        %dma_start3A_177 = tpu.memref_slice %arg3[%add3A_176] : memref<655360xi32, #tpu.memory_space<hbm>> -> memref<64xi32, #tpu.memory_space<hbm>>
        %dma_start3A_178 = tpu.memref_slice %arg3[%add3A_176] : memref<655360xi32, #tpu.memory_space<hbm>> -> memref<64xi32, #tpu.memory_space<hbm>>
        tpu.enqueue_dma source(%dma_start3A_178 : memref<64xi32, #tpu.memory_space<hbm>>) target(%arg10 : memref<64xi32, #tpu.memory_space<vmem>>) target_semaphore(%arg23 : memref<!tpu.dma_semaphore, #tpu.memory_space<semaphore_mem>>)
        %mul3A_179 = arith.constant 64 : i32
        %mul3A_180 = arith.muli %add3A_173, %mul3A_179 : i32
        %add3A_181 = arith.addi %mul3A_4, %mul3A_180 : i32
        %dma_start3A_182 = tpu.memref_slice %arg4[%add3A_181] : memref<327680xi32, #tpu.memory_space<hbm>> -> memref<64xi32, #tpu.memory_space<hbm>>
        %dma_start3A_183 = tpu.memref_slice %arg4[%add3A_181] : memref<327680xi32, #tpu.memory_space<hbm>> -> memref<64xi32, #tpu.memory_space<hbm>>
        tpu.enqueue_dma source(%dma_start3A_183 : memref<64xi32, #tpu.memory_space<hbm>>) target(%arg14 : memref<64xi32, #tpu.memory_space<vmem>>) target_semaphore(%arg23 : memref<!tpu.dma_semaphore, #tpu.memory_space<semaphore_mem>>)
      } else {
      }
    }
    %scan3A_74 = arith.constant 80 : i32
    %barrier3A_75 = arith.constant 0 : index
    tpu.barrier barrier_id(%barrier3A_75)
    %mul3A_76 = arith.constant 640 : i32
    %mul3A_77 = arith.muli %arg1, %mul3A_76 : i32
    %mul3A_78 = arith.constant 10240 : i32
    %mul3A_79 = arith.muli %arg0, %mul3A_78 : i32
    %mul3A_80 = arith.constant 640 : i32
    %mul3A_81 = arith.muli %arg1, %mul3A_80 : i32
    %add3A_82 = arith.addi %mul3A_79, %mul3A_81 : i32
    "tpu.region"() ({
      %run_scoped3A = tpu.sem_alloc : memref<!tpu.dma_semaphore, #tpu.memory_space<semaphore_mem>>
      %dma_start3A_83 = arith.constant 0 : i32
      %dma_start3A_84 = tpu.memref_slice %arg6[%add3A_82, %dma_start3A_83] : memref<20480x128xf32, #tpu.memory_space<hbm>> -> memref<640x128xf32, #tpu.memory_space<hbm>>
      %dma_start3A_85 = arith.constant 0 : i32
      %dma_start3A_86 = tpu.memref_slice %arg19[%mul3A_77, %dma_start3A_85] : memref<10368x128xf32, #tpu.memory_space<vmem_shared>> -> memref<640x128xf32, #tpu.memory_space<vmem_shared>>
      tpu.enqueue_dma source(%dma_start3A_86 : memref<640x128xf32, #tpu.memory_space<vmem_shared>>) target(%dma_start3A_84 : memref<640x128xf32, #tpu.memory_space<hbm>>) target_semaphore(%run_scoped3A : memref<!tpu.dma_semaphore, #tpu.memory_space<semaphore_mem>>)
      %dma_wait3A_87 = arith.constant 0 : i32
      %dma_wait3A_88 = tpu.memref_slice %arg6[%add3A_82, %dma_wait3A_87] : memref<20480x128xf32, #tpu.memory_space<hbm>> -> memref<640x128xf32, #tpu.memory_space<hbm>>
      %dma_wait3A_89 = arith.constant 0 : i32
      %dma_wait3A_90 = tpu.memref_slice %arg19[%mul3A_77, %dma_wait3A_89] : memref<10368x128xf32, #tpu.memory_space<vmem_shared>> -> memref<640x128xf32, #tpu.memory_space<vmem_shared>>
      tpu.wait_dma2 semaphore(%run_scoped3A : memref<!tpu.dma_semaphore, #tpu.memory_space<semaphore_mem>>) src(%dma_wait3A_90 : memref<640x128xf32, #tpu.memory_space<vmem_shared>>) dst(%dma_wait3A_88 : memref<640x128xf32, #tpu.memory_space<hbm>>)
      tpu.yield
    }) : () -> ()
    return
  }
}

module attributes {stable_mosaic.version = 14 : i64} {
  func.func @_tc1_body(%arg0: i32, %arg1: memref<2x512x128xf32, #tpu.memory_space<vmem>>, %arg2: memref<2x512x8xf32, #tpu.memory_space<vmem>>, %arg3: memref<512x128xf32, #tpu.memory_space<vmem>>, %arg4: memref<128x256xf32, #tpu.memory_space<vmem>>, %arg5: memref<128x256xf32, #tpu.memory_space<vmem>>, %arg6: memref<1x256xf32, #tpu.memory_space<vmem>>, %arg7: memref<2x512x128xf32, #tpu.memory_space<vmem>>) attributes {dimension_semantics = [#tpu.dimension_semantics<arbitrary>], iteration_bounds = array<i64: 20>, scalar_prefetch = 0 : i64, scratch_operands = 0 : i64, tpu.core_type = #tpu.core_type<tc>, window_params = [{transform_indices = @transform_0, window_bounds = array<i64: 2, 512, 128>}, {transform_indices = @transform_1, window_bounds = array<i64: 2, 512, 8>}, {transform_indices = @transform_2, window_bounds = array<i64: 512, 128>}, {pipeline_mode = #tpu.pipeline_mode<synchronous>, transform_indices = @transform_3, window_bounds = array<i64: 128, 256>}, {pipeline_mode = #tpu.pipeline_mode<synchronous>, transform_indices = @transform_4, window_bounds = array<i64: 128, 256>}, {pipeline_mode = #tpu.pipeline_mode<synchronous>, transform_indices = @transform_5, window_bounds = array<i64: 1, 256>}, {transform_indices = @transform_6, window_bounds = array<i64: 2, 512, 128>}]} {
    %get3A = arith.constant 0 : index
    %get3A_0 = arith.constant 0 : index
    %get3A_1 = arith.constant 0 : index
    %get3A_2 = vector.load %arg2[%get3A, %get3A_0, %get3A_1] : memref<2x512x8xf32, #tpu.memory_space<vmem>>, vector<1x512x8xf32>
    %get3A_3 = vector.shape_cast %get3A_2 : vector<1x512x8xf32> to vector<512x8xf32>
    %slice3A = vector.extract_strided_slice %get3A_3 {offsets = [0, 0], sizes = [512, 1], strides = [1, 1]} : vector<512x8xf32> to vector<512x1xf32>
    %get3A_4 = arith.constant 1 : index
    %get3A_5 = arith.constant 0 : index
    %get3A_6 = arith.constant 0 : index
    %get3A_7 = vector.load %arg2[%get3A_4, %get3A_5, %get3A_6] : memref<2x512x8xf32, #tpu.memory_space<vmem>>, vector<1x512x8xf32>
    %get3A_8 = vector.shape_cast %get3A_7 : vector<1x512x8xf32> to vector<512x8xf32>
    %slice3A_9 = vector.extract_strided_slice %get3A_8 {offsets = [0, 0], sizes = [512, 1], strides = [1, 1]} : vector<512x8xf32> to vector<512x1xf32>
    %add3A = arith.addf %slice3A, %slice3A_9 : vector<512x1xf32>
    %max3A = arith.constant 1.000000e+00 : f32
    %max3A_10 = vector.broadcast %max3A : f32 to vector<512x1xf32>
    %max3A_11 = arith.maximumf %add3A, %max3A_10 : vector<512x1xf32>
    %div3A = arith.constant 1.000000e+00 : f32
    %div3A_12 = vector.broadcast %div3A : f32 to vector<512x1xf32>
    %div3A_13 = arith.divf %div3A_12, %max3A_11 : vector<512x1xf32>
    %get3A_14 = arith.constant 0 : index
    %get3A_15 = arith.constant 0 : index
    %get3A_16 = arith.constant 0 : index
    %get3A_17 = vector.load %arg1[%get3A_14, %get3A_15, %get3A_16] : memref<2x512x128xf32, #tpu.memory_space<vmem>>, vector<1x512x128xf32>
    %get3A_18 = vector.shape_cast %get3A_17 : vector<1x512x128xf32> to vector<512x128xf32>
    %get3A_19 = arith.constant 1 : index
    %get3A_20 = arith.constant 0 : index
    %get3A_21 = arith.constant 0 : index
    %get3A_22 = vector.load %arg1[%get3A_19, %get3A_20, %get3A_21] : memref<2x512x128xf32, #tpu.memory_space<vmem>>, vector<1x512x128xf32>
    %get3A_23 = vector.shape_cast %get3A_22 : vector<1x512x128xf32> to vector<512x128xf32>
    %add3A_24 = arith.addf %get3A_18, %get3A_23 : vector<512x128xf32>
    %mul3A = vector.broadcast %div3A_13 : vector<512x1xf32> to vector<512x128xf32>
    %mul3A_25 = arith.mulf %add3A_24, %mul3A : vector<512x128xf32>
    %get3A_26 = arith.constant 0 : index
    %get3A_27 = arith.constant 0 : index
    %get3A_28 = vector.load %arg4[%get3A_26, %get3A_27] : memref<128x256xf32, #tpu.memory_space<vmem>>, vector<128x256xf32>
    %dot_general3A = arith.constant dense<0.000000e+00> : vector<512x256xf32>
    %dot_general3A_29 = tpu.matmul %mul3A_25, %get3A_28, %dot_general3A {dimension_numbers = #tpu.dot_dimension_numbers<[1], [0], [0], [1], [0, 0, 1, 1], [], []>, transpose_lhs_hint = false} : vector<512x128xf32>, vector<128x256xf32>, vector<512x256xf32> -> vector<512x256xf32>
    %get3A_30 = arith.constant 0 : index
    %get3A_31 = arith.constant 0 : index
    %get3A_32 = vector.load %arg3[%get3A_30, %get3A_31] : memref<512x128xf32, #tpu.memory_space<vmem>>, vector<512x128xf32>
    %get3A_33 = arith.constant 0 : index
    %get3A_34 = arith.constant 0 : index
    %get3A_35 = vector.load %arg5[%get3A_33, %get3A_34] : memref<128x256xf32, #tpu.memory_space<vmem>>, vector<128x256xf32>
    %dot_general3A_36 = arith.constant dense<0.000000e+00> : vector<512x256xf32>
    %dot_general3A_37 = tpu.matmul %get3A_32, %get3A_35, %dot_general3A_36 {dimension_numbers = #tpu.dot_dimension_numbers<[1], [0], [0], [1], [0, 0, 1, 1], [], []>, transpose_lhs_hint = false} : vector<512x128xf32>, vector<128x256xf32>, vector<512x256xf32> -> vector<512x256xf32>
    %add3A_38 = arith.addf %dot_general3A_29, %dot_general3A_37 : vector<512x256xf32>
    %get3A_39 = arith.constant 0 : index
    %get3A_40 = arith.constant 0 : index
    %get3A_41 = vector.load %arg6[%get3A_39, %get3A_40] : memref<1x256xf32, #tpu.memory_space<vmem>>, vector<1x256xf32>
    %add3A_42 = vector.broadcast %get3A_41 : vector<1x256xf32> to vector<512x256xf32>
    %add3A_43 = arith.addf %add3A_38, %add3A_42 : vector<512x256xf32>
    %max3A_44 = arith.constant 0.000000e+00 : f32
    %max3A_45 = vector.broadcast %max3A_44 : f32 to vector<512x256xf32>
    %max3A_46 = arith.maximumf %add3A_43, %max3A_45 : vector<512x256xf32>
    %slice3A_47 = vector.extract_strided_slice %max3A_46 {offsets = [0, 0], sizes = [512, 128], strides = [1, 1]} : vector<512x256xf32> to vector<512x128xf32>
    %swap3A = arith.constant 0 : index
    %swap3A_48 = arith.constant 0 : index
    %swap3A_49 = arith.constant 0 : index
    %swap3A_50 = vector.load %arg7[%swap3A, %swap3A_48, %swap3A_49] : memref<2x512x128xf32, #tpu.memory_space<vmem>>, vector<1x512x128xf32>
    %swap3A_51 = vector.shape_cast %swap3A_50 : vector<1x512x128xf32> to vector<512x128xf32>
    %swap3A_52 = vector.shape_cast %slice3A_47 : vector<512x128xf32> to vector<1x512x128xf32>
    tpu.vector_store %arg7[%swap3A, %swap3A_48, %swap3A_49], %swap3A_52 {strides = array<i32>} : memref<2x512x128xf32, #tpu.memory_space<vmem>>, vector<1x512x128xf32>,
    %slice3A_53 = vector.extract_strided_slice %max3A_46 {offsets = [0, 128], sizes = [512, 128], strides = [1, 1]} : vector<512x256xf32> to vector<512x128xf32>
    %swap3A_54 = arith.constant 1 : index
    %swap3A_55 = arith.constant 0 : index
    %swap3A_56 = arith.constant 0 : index
    %swap3A_57 = vector.load %arg7[%swap3A_54, %swap3A_55, %swap3A_56] : memref<2x512x128xf32, #tpu.memory_space<vmem>>, vector<1x512x128xf32>
    %swap3A_58 = vector.shape_cast %swap3A_57 : vector<1x512x128xf32> to vector<512x128xf32>
    %swap3A_59 = vector.shape_cast %slice3A_53 : vector<512x128xf32> to vector<1x512x128xf32>
    tpu.vector_store %arg7[%swap3A_54, %swap3A_55, %swap3A_56], %swap3A_59 {strides = array<i32>} : memref<2x512x128xf32, #tpu.memory_space<vmem>>, vector<1x512x128xf32>,
    return
  }
  func.func @transform_0(%arg0: i32) -> (i32, i32, i32) {
    %c0_i32 = arith.constant 0 : i32
    %c0_i32_0 = arith.constant 0 : i32
    %c0_i32_1 = arith.constant 0 : i32
    return %c0_i32, %arg0, %c0_i32_0 : i32, i32, i32
  }
  func.func @transform_1(%arg0: i32) -> (i32, i32, i32) {
    %c0_i32 = arith.constant 0 : i32
    %c0_i32_0 = arith.constant 0 : i32
    %c0_i32_1 = arith.constant 0 : i32
    return %c0_i32, %arg0, %c0_i32_0 : i32, i32, i32
  }
  func.func @transform_2(%arg0: i32) -> (i32, i32) {
    %c0_i32 = arith.constant 0 : i32
    %c0_i32_0 = arith.constant 0 : i32
    return %arg0, %c0_i32 : i32, i32
  }
  func.func @transform_3(%arg0: i32) -> (i32, i32) {
    %c0_i32 = arith.constant 0 : i32
    %c0_i32_0 = arith.constant 0 : i32
    %c0_i32_1 = arith.constant 0 : i32
    return %c0_i32, %c0_i32_0 : i32, i32
  }
  func.func @transform_4(%arg0: i32) -> (i32, i32) {
    %c0_i32 = arith.constant 0 : i32
    %c0_i32_0 = arith.constant 0 : i32
    %c0_i32_1 = arith.constant 0 : i32
    return %c0_i32, %c0_i32_0 : i32, i32
  }
  func.func @transform_5(%arg0: i32) -> (i32, i32) {
    %c0_i32 = arith.constant 0 : i32
    %c0_i32_0 = arith.constant 0 : i32
    %c0_i32_1 = arith.constant 0 : i32
    return %c0_i32, %c0_i32_0 : i32, i32
  }
  func.func @transform_6(%arg0: i32) -> (i32, i32, i32) {
    %c0_i32 = arith.constant 0 : i32
    %c0_i32_0 = arith.constant 0 : i32
    %c0_i32_1 = arith.constant 0 : i32
    return %c0_i32, %arg0, %c0_i32_0 : i32, i32, i32
  }
}

module attributes {stable_mosaic.version = 14 : i64} {
  func.func @_tc2_body(%arg0: i32, %arg1: memref<2x512x128xf32, #tpu.memory_space<vmem>>, %arg2: memref<2x512x8xf32, #tpu.memory_space<vmem>>, %arg3: memref<2x512x128xf32, #tpu.memory_space<vmem>>, %arg4: memref<256x256xf32, #tpu.memory_space<vmem>>, %arg5: memref<256x256xf32, #tpu.memory_space<vmem>>, %arg6: memref<1x256xf32, #tpu.memory_space<vmem>>, %arg7: memref<256x128xf32, #tpu.memory_space<vmem>>, %arg8: memref<1x128xf32, #tpu.memory_space<vmem>>, %arg9: memref<512x128xf32, #tpu.memory_space<vmem>>) attributes {dimension_semantics = [#tpu.dimension_semantics<arbitrary>], iteration_bounds = array<i64: 20>, scalar_prefetch = 0 : i64, scratch_operands = 0 : i64, tpu.core_type = #tpu.core_type<tc>, window_params = [{transform_indices = @transform_0, window_bounds = array<i64: 2, 512, 128>}, {transform_indices = @transform_1, window_bounds = array<i64: 2, 512, 8>}, {transform_indices = @transform_2, window_bounds = array<i64: 2, 512, 128>}, {pipeline_mode = #tpu.pipeline_mode<synchronous>, transform_indices = @transform_3, window_bounds = array<i64: 256, 256>}, {pipeline_mode = #tpu.pipeline_mode<synchronous>, transform_indices = @transform_4, window_bounds = array<i64: 256, 256>}, {pipeline_mode = #tpu.pipeline_mode<synchronous>, transform_indices = @transform_5, window_bounds = array<i64: 1, 256>}, {pipeline_mode = #tpu.pipeline_mode<synchronous>, transform_indices = @transform_6, window_bounds = array<i64: 256, 128>}, {pipeline_mode = #tpu.pipeline_mode<synchronous>, transform_indices = @transform_7, window_bounds = array<i64: 1, 128>}, {transform_indices = @transform_8, window_bounds = array<i64: 512, 128>}]} {
    %get3A = arith.constant 0 : index
    %get3A_0 = arith.constant 0 : index
    %get3A_1 = arith.constant 0 : index
    %get3A_2 = vector.load %arg2[%get3A, %get3A_0, %get3A_1] : memref<2x512x8xf32, #tpu.memory_space<vmem>>, vector<1x512x8xf32>
    %get3A_3 = vector.shape_cast %get3A_2 : vector<1x512x8xf32> to vector<512x8xf32>
    %slice3A = vector.extract_strided_slice %get3A_3 {offsets = [0, 0], sizes = [512, 1], strides = [1, 1]} : vector<512x8xf32> to vector<512x1xf32>
    %get3A_4 = arith.constant 1 : index
    %get3A_5 = arith.constant 0 : index
    %get3A_6 = arith.constant 0 : index
    %get3A_7 = vector.load %arg2[%get3A_4, %get3A_5, %get3A_6] : memref<2x512x8xf32, #tpu.memory_space<vmem>>, vector<1x512x8xf32>
    %get3A_8 = vector.shape_cast %get3A_7 : vector<1x512x8xf32> to vector<512x8xf32>
    %slice3A_9 = vector.extract_strided_slice %get3A_8 {offsets = [0, 0], sizes = [512, 1], strides = [1, 1]} : vector<512x8xf32> to vector<512x1xf32>
    %add3A = arith.addf %slice3A, %slice3A_9 : vector<512x1xf32>
    %max3A = arith.constant 1.000000e+00 : f32
    %max3A_10 = vector.broadcast %max3A : f32 to vector<512x1xf32>
    %max3A_11 = arith.maximumf %add3A, %max3A_10 : vector<512x1xf32>
    %div3A = arith.constant 1.000000e+00 : f32
    %div3A_12 = vector.broadcast %div3A : f32 to vector<512x1xf32>
    %div3A_13 = arith.divf %div3A_12, %max3A_11 : vector<512x1xf32>
    %get3A_14 = arith.constant 0 : index
    %get3A_15 = arith.constant 0 : index
    %get3A_16 = arith.constant 0 : index
    %get3A_17 = vector.load %arg1[%get3A_14, %get3A_15, %get3A_16] : memref<2x512x128xf32, #tpu.memory_space<vmem>>, vector<1x512x128xf32>
    %get3A_18 = vector.shape_cast %get3A_17 : vector<1x512x128xf32> to vector<512x128xf32>
    %mul3A = vector.broadcast %div3A_13 : vector<512x1xf32> to vector<512x128xf32>
    %mul3A_19 = arith.mulf %get3A_18, %mul3A : vector<512x128xf32>
    %get3A_20 = arith.constant 0 : index
    %get3A_21 = arith.constant 0 : index
    %get3A_22 = vector.load %arg4[%get3A_20, %get3A_21] : memref<256x256xf32, #tpu.memory_space<vmem>>, vector<128x256xf32>
    %dot_general3A = arith.constant dense<0.000000e+00> : vector<512x256xf32>
    %dot_general3A_23 = tpu.matmul %mul3A_19, %get3A_22, %dot_general3A {dimension_numbers = #tpu.dot_dimension_numbers<[1], [0], [0], [1], [0, 0, 1, 1], [], []>, transpose_lhs_hint = false} : vector<512x128xf32>, vector<128x256xf32>, vector<512x256xf32> -> vector<512x256xf32>
    %get3A_24 = arith.constant 1 : index
    %get3A_25 = arith.constant 0 : index
    %get3A_26 = arith.constant 0 : index
    %get3A_27 = vector.load %arg1[%get3A_24, %get3A_25, %get3A_26] : memref<2x512x128xf32, #tpu.memory_space<vmem>>, vector<1x512x128xf32>
    %get3A_28 = vector.shape_cast %get3A_27 : vector<1x512x128xf32> to vector<512x128xf32>
    %mul3A_29 = vector.broadcast %div3A_13 : vector<512x1xf32> to vector<512x128xf32>
    %mul3A_30 = arith.mulf %get3A_28, %mul3A_29 : vector<512x128xf32>
    %get3A_31 = arith.constant 128 : index
    %get3A_32 = arith.constant 0 : index
    %get3A_33 = vector.load %arg4[%get3A_31, %get3A_32] : memref<256x256xf32, #tpu.memory_space<vmem>>, vector<128x256xf32>
    %dot_general3A_34 = arith.constant dense<0.000000e+00> : vector<512x256xf32>
    %dot_general3A_35 = tpu.matmul %mul3A_30, %get3A_33, %dot_general3A_34 {dimension_numbers = #tpu.dot_dimension_numbers<[1], [0], [0], [1], [0, 0, 1, 1], [], []>, transpose_lhs_hint = false} : vector<512x128xf32>, vector<128x256xf32>, vector<512x256xf32> -> vector<512x256xf32>
    %add3A_36 = arith.addf %dot_general3A_23, %dot_general3A_35 : vector<512x256xf32>
    %get3A_37 = arith.constant 0 : index
    %get3A_38 = arith.constant 0 : index
    %get3A_39 = arith.constant 0 : index
    %get3A_40 = vector.load %arg3[%get3A_37, %get3A_38, %get3A_39] : memref<2x512x128xf32, #tpu.memory_space<vmem>>, vector<1x512x128xf32>
    %get3A_41 = vector.shape_cast %get3A_40 : vector<1x512x128xf32> to vector<512x128xf32>
    %get3A_42 = arith.constant 0 : index
    %get3A_43 = arith.constant 0 : index
    %get3A_44 = vector.load %arg5[%get3A_42, %get3A_43] : memref<256x256xf32, #tpu.memory_space<vmem>>, vector<128x256xf32>
    %dot_general3A_45 = arith.constant dense<0.000000e+00> : vector<512x256xf32>
    %dot_general3A_46 = tpu.matmul %get3A_41, %get3A_44, %dot_general3A_45 {dimension_numbers = #tpu.dot_dimension_numbers<[1], [0], [0], [1], [0, 0, 1, 1], [], []>, transpose_lhs_hint = false} : vector<512x128xf32>, vector<128x256xf32>, vector<512x256xf32> -> vector<512x256xf32>
    %add3A_47 = arith.addf %add3A_36, %dot_general3A_46 : vector<512x256xf32>
    %get3A_48 = arith.constant 1 : index
    %get3A_49 = arith.constant 0 : index
    %get3A_50 = arith.constant 0 : index
    %get3A_51 = vector.load %arg3[%get3A_48, %get3A_49, %get3A_50] : memref<2x512x128xf32, #tpu.memory_space<vmem>>, vector<1x512x128xf32>
    %get3A_52 = vector.shape_cast %get3A_51 : vector<1x512x128xf32> to vector<512x128xf32>
    %get3A_53 = arith.constant 128 : index
    %get3A_54 = arith.constant 0 : index
    %get3A_55 = vector.load %arg5[%get3A_53, %get3A_54] : memref<256x256xf32, #tpu.memory_space<vmem>>, vector<128x256xf32>
    %dot_general3A_56 = arith.constant dense<0.000000e+00> : vector<512x256xf32>
    %dot_general3A_57 = tpu.matmul %get3A_52, %get3A_55, %dot_general3A_56 {dimension_numbers = #tpu.dot_dimension_numbers<[1], [0], [0], [1], [0, 0, 1, 1], [], []>, transpose_lhs_hint = false} : vector<512x128xf32>, vector<128x256xf32>, vector<512x256xf32> -> vector<512x256xf32>
    %add3A_58 = arith.addf %add3A_47, %dot_general3A_57 : vector<512x256xf32>
    %get3A_59 = arith.constant 0 : index
    %get3A_60 = arith.constant 0 : index
    %get3A_61 = vector.load %arg6[%get3A_59, %get3A_60] : memref<1x256xf32, #tpu.memory_space<vmem>>, vector<1x256xf32>
    %add3A_62 = vector.broadcast %get3A_61 : vector<1x256xf32> to vector<512x256xf32>
    %add3A_63 = arith.addf %add3A_58, %add3A_62 : vector<512x256xf32>
    %max3A_64 = arith.constant 0.000000e+00 : f32
    %max3A_65 = vector.broadcast %max3A_64 : f32 to vector<512x256xf32>
    %max3A_66 = arith.maximumf %add3A_63, %max3A_65 : vector<512x256xf32>
    %get3A_67 = arith.constant 0 : index
    %get3A_68 = arith.constant 0 : index
    %get3A_69 = vector.load %arg7[%get3A_67, %get3A_68] : memref<256x128xf32, #tpu.memory_space<vmem>>, vector<256x128xf32>
    %dot_general3A_70 = arith.constant dense<0.000000e+00> : vector<512x128xf32>
    %dot_general3A_71 = tpu.matmul %max3A_66, %get3A_69, %dot_general3A_70 {dimension_numbers = #tpu.dot_dimension_numbers<[1], [0], [0], [1], [0, 0, 1, 1], [], []>, transpose_lhs_hint = false} : vector<512x256xf32>, vector<256x128xf32>, vector<512x128xf32> -> vector<512x128xf32>
    %get3A_72 = arith.constant 0 : index
    %get3A_73 = arith.constant 0 : index
    %get3A_74 = vector.load %arg8[%get3A_72, %get3A_73] : memref<1x128xf32, #tpu.memory_space<vmem>>, vector<1x128xf32>
    %add3A_75 = vector.broadcast %get3A_74 : vector<1x128xf32> to vector<512x128xf32>
    %add3A_76 = arith.addf %dot_general3A_71, %add3A_75 : vector<512x128xf32>
    %swap3A = arith.constant 0 : index
    %swap3A_77 = arith.constant 0 : index
    %swap3A_78 = vector.load %arg9[%swap3A, %swap3A_77] : memref<512x128xf32, #tpu.memory_space<vmem>>, vector<512x128xf32>
    tpu.vector_store %arg9[%swap3A, %swap3A_77], %add3A_76 {strides = array<i32>} : memref<512x128xf32, #tpu.memory_space<vmem>>, vector<512x128xf32>,
    return
  }
  func.func @transform_0(%arg0: i32) -> (i32, i32, i32) {
    %c0_i32 = arith.constant 0 : i32
    %c0_i32_0 = arith.constant 0 : i32
    %c0_i32_1 = arith.constant 0 : i32
    return %c0_i32, %arg0, %c0_i32_0 : i32, i32, i32
  }
  func.func @transform_1(%arg0: i32) -> (i32, i32, i32) {
    %c0_i32 = arith.constant 0 : i32
    %c0_i32_0 = arith.constant 0 : i32
    %c0_i32_1 = arith.constant 0 : i32
    return %c0_i32, %arg0, %c0_i32_0 : i32, i32, i32
  }
  func.func @transform_2(%arg0: i32) -> (i32, i32, i32) {
    %c0_i32 = arith.constant 0 : i32
    %c0_i32_0 = arith.constant 0 : i32
    %c0_i32_1 = arith.constant 0 : i32
    return %c0_i32, %arg0, %c0_i32_0 : i32, i32, i32
  }
  func.func @transform_3(%arg0: i32) -> (i32, i32) {
    %c0_i32 = arith.constant 0 : i32
    %c0_i32_0 = arith.constant 0 : i32
    %c0_i32_1 = arith.constant 0 : i32
    return %c0_i32, %c0_i32_0 : i32, i32
  }
  func.func @transform_4(%arg0: i32) -> (i32, i32) {
    %c0_i32 = arith.constant 0 : i32
    %c0_i32_0 = arith.constant 0 : i32
    %c0_i32_1 = arith.constant 0 : i32
    return %c0_i32, %c0_i32_0 : i32, i32
  }
  func.func @transform_5(%arg0: i32) -> (i32, i32) {
    %c0_i32 = arith.constant 0 : i32
    %c0_i32_0 = arith.constant 0 : i32
    %c0_i32_1 = arith.constant 0 : i32
    return %c0_i32, %c0_i32_0 : i32, i32
  }
  func.func @transform_6(%arg0: i32) -> (i32, i32) {
    %c0_i32 = arith.constant 0 : i32
    %c0_i32_0 = arith.constant 0 : i32
    %c0_i32_1 = arith.constant 0 : i32
    return %c0_i32, %c0_i32_0 : i32, i32
  }
  func.func @transform_7(%arg0: i32) -> (i32, i32) {
    %c0_i32 = arith.constant 0 : i32
    %c0_i32_0 = arith.constant 0 : i32
    %c0_i32_1 = arith.constant 0 : i32
    return %c0_i32, %c0_i32_0 : i32, i32
  }
  func.func @transform_8(%arg0: i32) -> (i32, i32) {
    %c0_i32 = arith.constant 0 : i32
    %c0_i32_0 = arith.constant 0 : i32
    return %arg0, %c0_i32 : i32, i32
  }
}

</mosaic_0001>

<sc_bundles>
// kernel: kernel.6.cloned.1.call-start
scs
__scs_entry_jumppad:
0x0: {  	(pc) =	sbr.rel $0x88, $3  }
0x1: {  	(tag) =	ssettag $0x0;
	lr =	simm.s32 $0x1  }
0x2: {  	[smem:$0x3F97] =	sst lr;
	_ =	strace $0xD0000000  }
0x3: {  	_ = 	snop  }
0x4: {  	_ = 	snop  }
0x5: {  	_ = 	snop  }
0x6: {  	_ = 	snop  }
0x7: {  	_ = 	snop  }
__scs_overlays_trampoline_lowered:
0x8: {  	[smem:$0x3FA6] =	sst s0  }
0x9: {  	[smem:$0x3FA7] =	sst s1  }
0xa: {  	[smem:$0x3FA8] =	sst s2  }
0xb: {  	[smem:$0x3FA9] =	sst s3  }
0xc: {  	[smem:$0x3FAA] =	sst s4  }
0xd: {  	[smem:$0x3FAB] =	sst s5  }
0xe: {  	[smem:$0x3FAC] =	sst s6  }
0xf: {  	[smem:$0x3FAD] =	sst s7  }
0x10: {  	[smem:$0x3FAE] =	sst s8  }
0x11: {  	[smem:$0x3FAF] =	sst s9;
	s0 =	simm.s32 @!p0 $0x0  }
0x12: {  	s1 =	sld [smem:$0x3F95];
	s0 =	simm.s32 @p0 $0x1  }
0x13: {  	[smem:$0x3FB0] =	sst s0;
	s0 =	simm.s32 @!p1 $0x0  }
0x14: {  	s2 =	sld [smem:$0x3F94];
	s0 =	simm.s32 @p1 $0x1  }
0x15: {  	[smem:$0x3FB1] =	sst s0;
	s0 =	simm.s32 @!p2 $0x0  }
0x16: {  	s3 =	sld [smem:$0x3FDB];
	s0 =	simm.s32 @p2 $0x1  }
0x17: {  	s4 =	simm.s32 $0x1BF5;
	[smem:$0x3FB3] =	sst s0  }
0x18: {  	s0 =	sld [smem:$0x3F96];
	_ =	swait.ge [sflag:s4], $0x0  }
0x19: {  	s7 =	sld [smem:$0x3F97]  }
0x1a: {  	s8 =	sadd.s32 $0xFFFFE003, lr  }
0x1b: {  	s9 =	sadd.s32 $0xFFFFFEF7, lr;
	s5 =	simm.s32 $0xFFFFFFFF;
	p2 =	slt.u32 s8, $0xFFFFF086  }
0x1c: {  	p1 =	slt.u32 s9, $0xF7A;
	s5 =	simm.s32 @!p2 $0x0  }
0x1d: {  	s5 =	simm.s32 @p1 $0x1;
	p0 =	seq.s32 s7, s2  }
0x1e: {  	s7 =	smul.u32 @!p0 $0xF7A, s2;
	p2 =	seq.s32 @!p0 s5, $0x0  }
0x1f: {  	s9 =	smul.u32 $0xF7A, s1;
	s8 =	simm.s32 @!p0 $0x1BF5;
	p2 =	por !p2, p0  }
0x20: {  	[sflag:s8] =	ssyncset.s32 @!p0 $0xFFFFF086;
	s6 =	sadd.s32 @!p0 s3, s7;
	s7 =	simm.s32 @!p0 $0x108  }
0x21: {  	s3 =	sadd.s32 s3, s9;
	s6 =	sadd.s32 @!p0 $0x88, s6;
	s7 =	simm.s32 @p2 $0x1082  }
0x22: {  	[simem:s7], [sflag:s8] =	dma.local @!p0 [hbm:s6], $0xF7A  }
0x23: {  	s9 =	sor.u32 $0xD0000000, s2;
	s6 =	simm.s32 $0x108;
	_ =	swait.ge @!p0 [sflag:s8], $0x0  }
0x24: {  	s3 =	sadd.s32 $0x88, s3;
	s6 =	simm.s32 @!p1 $0x1082;
	[sflag:s4] =	ssyncset.s32 $0xFFFFF086  }
0x25: {  	[simem:s6], [sflag:s4] =	dma.local [hbm:s3], $0xF7A  }
0x26: {  	[smem:$0x3F97] =	sst s1;
	(tag) =	ssettag s2;
	_ =	strace s9  }
0x27: {  	s1 =	sld [smem:$0x3FA7]  }
0x28: {  	s2 =	sld [smem:$0x3FA8]  }
0x29: {  	s4 =	sld [smem:$0x3FAA]  }
0x2a: {  	p0 =	seq.s32 s5, $0x0;
	s5 =	sld [smem:$0x3FAB]  }
0x2b: {  	s6 =	sld [smem:$0x3FAC]  }
0x2c: {  	s7 =	sld [smem:$0x3FAD]  }
0x2d: {  	s3 =	simm.s32 $0x108;
	s8 =	sld [smem:$0x3FAE]  }
0x2e: {  	s3 =	simm.s32 @!p0 $0x1082;
	s9 =	sld [smem:$0x3FAF]  }
0x2f: {  	lr =	sadd.s32 s0, s3;
	s0 =	sld [smem:$0x3FA6]  }
0x30: {  	s3 =	sld [smem:$0x3FA9]  }
0x31: {  	[smem:$0x3FB2] =	sst s10  }
0x32: {  	s10 =	sld [smem:$0x3FB0];
	_ =	sdelay $0x3  }
0x33: {  	p0 =	seq.s32 s10, $0x1;
	s10 =	sld [smem:$0x3FB2];
	_ =	sdelay $0x3  }
0x34: {  	[smem:$0x3FB2] =	sst s10  }
0x35: {  	s10 =	sld [smem:$0x3FB1];
	_ =	sdelay $0x3  }
0x36: {  	p1 =	seq.s32 s10, $0x1;
	s10 =	sld [smem:$0x3FB2];
	_ =	sdelay $0x3  }
0x37: {  	[smem:$0x3FB2] =	sst s10  }
0x38: {  	s10 =	sld [smem:$0x3FB3]  }
0x39: {  	_ = 	snop;
	(pc) =	sbr.ind lr, $3  }
0x3a: {  	_ = 	snop  }
0x3b: {  	_ = 	snop  }
0x3c: {  	p2 =	seq.s32 s10, $0x1;
	s10 =	sld [smem:$0x3FB2]  }
0x3d: {  	_ =	shalt  }
0x3e: {  	_ =	shalt  }
0x3f: {  	_ =	shalt  }
0x40: {  	_ =	shalt  }
0x41: {  	_ =	shalt  }
0x42: {  	_ =	shalt  }
0x43: {  	_ =	shalt  }
0x44: {  	_ =	shalt  }
0x45: {  	_ =	shalt  }
0x46: {  	_ =	shalt  }
0x47: {  	_ =	shalt  }
0x48: {  	_ =	shalt  }
0x49: {  	_ =	shalt  }
0x4a: {  	_ =	shalt  }
0x4b: {  	_ =	shalt  }
0x4c: {  	_ =	shalt  }
0x4d: {  	_ =	shalt  }
0x4e: {  	_ =	shalt  }
0x4f: {  	_ =	shalt  }
0x50: {  	_ =	shalt  }
0x51: {  	_ =	shalt  }
0x52: {  	_ =	shalt  }
0x53: {  	_ =	shalt  }
0x54: {  	_ =	shalt  }
0x55: {  	_ =	shalt  }
0x56: {  	_ =	shalt  }
0x57: {  	_ =	shalt  }
0x58: {  	_ =	shalt  }
0x59: {  	_ =	shalt  }
0x5a: {  	_ =	shalt  }
0x5b: {  	_ =	shalt  }
0x5c: {  	_ =	shalt  }
0x5d: {  	_ =	shalt  }
0x5e: {  	_ =	shalt  }
0x5f: {  	_ =	shalt  }
0x60: {  	_ =	shalt  }
0x61: {  	_ =	shalt  }
0x62: {  	_ =	shalt  }
0x63: {  	_ =	shalt  }
0x64: {  	_ =	shalt  }
0x65: {  	_ =	shalt  }
0x66: {  	_ =	shalt  }
0x67: {  	_ =	shalt  }
0x68: {  	_ =	shalt  }
0x69: {  	_ =	shalt  }
0x6a: {  	_ =	shalt  }
0x6b: {  	_ =	shalt  }
0x6c: {  	_ =	shalt  }
0x6d: {  	_ =	shalt  }
0x6e: {  	_ =	shalt  }
0x6f: {  	_ =	shalt  }
0x70: {  	_ =	shalt  }
0x71: {  	_ =	shalt  }
0x72: {  	_ =	shalt  }
0x73: {  	_ =	shalt  }
0x74: {  	_ =	shalt  }
0x75: {  	_ =	shalt  }
0x76: {  	_ =	shalt  }
0x77: {  	_ =	shalt  }
0x78: {  	_ =	shalt  }
0x79: {  	_ =	shalt  }
0x7a: {  	_ =	shalt  }
0x7b: {  	_ =	shalt  }
0x7c: {  	_ =	shalt  }
0x7d: {  	_ =	shalt  }
0x7e: {  	_ =	shalt  }
0x7f: {  	_ =	shalt  }
0x80: {  	_ =	shalt  }
0x81: {  	_ =	shalt  }
0x82: {  	_ =	shalt  }
0x83: {  	_ =	shalt  }
0x84: {  	_ =	shalt  }
0x85: {  	_ =	shalt  }
0x86: {  	_ =	shalt  }
0x87: {  	_ =	shalt  }
.Lfunc_end0:
.L_simem_size_0:
called_computation_lowered:
.L_overlay_start_0:
0x88: {  	s2 =	sld [smem:$0x3FD9]  }
0x89: {  	s3 =	sld [smem:$0x3FFE];
	_ =	sdelay $0x1  }
0x8a: {  	s1 =	srdreg.scid  }
0x8b: {  	s0 =	sand.u32 $0x1, s1  }
0x8c: {  	s16 =	sshll.u32 s0, $0xA;
	s2 =	sadd.s32 s3, s2  }
0x8d: {  	s2 =	sadd.s32 s2, s16  }
0x8e: {  	[smem:$0x3FBE] =	sst s2  }
0x8f: {  	_ = 	snop  }
0x90: {  	(tm) =	ssettm $0x1  }
0x91: {  	s17 =	sld [smem:$0x3FFB];
	_ =	sdelay $0x3  }
0x92: {  	_ =	strace s17  }
0x93: {  	s2 =	sld [smem:$0x3FFC];
	_ =	sdelay $0x3  }
0x94: {  	_ =	strace s2  }
0x95: {  	s2 =	sld [smem:$0x3FFD];
	_ =	sdelay $0x3  }
0x96: {  	_ =	strace s2  }
0x97: {  	_ =	strace $0x8FFFFFFF  }
0x98: {  	s18 =	sld [smem:$0x3FDB];
	_ =	sdelay $0x1  }
0x99: {  	s19 =	simm.s32 $_scs_section_size  }
0x9a: {  	s4 =	simm.s32 $_size__tile_overlayer_lowered;
	s5 =	simm.s32 $_tile_overlayer_lowered  }
0x9b: {  	s22 =	simm.s32 $0x1BFF;
	s21 =	sshll.u32 s5, $0x1;
	s2 =	sadd.s32 s19, s18  }
0x9c: {  	s6 =	simm.s32 $0x0;
	s20 =	sshll.u32 s4, $0x1;
	s4 =	sadd.s32 s21, s2  }
0x9d: {  	[timem:s6], [sflag:s22] =	dma.local [hbm:s4], s20  }
0x9e: {  	_ =	swait.ge [sflag:s22], s20  }
0x9f: {  	s3 =	ssub.s32 $0x0, s20;
	[sflag:s22] =	ssyncset.done $0x0  }
0xa0: {  	[sflag:s22] =	ssyncadd.s32 s3;
	_ =	sdelay $0x1  }
0xa1: {  	s23 =	simm.s32 $0x1B8B  }
0xa2: {  	_ =	swait.ge [sflag:s23], $0x1  }
0xa3: {  	[sflag:s23] =	ssyncset.done $0x0  }
0xa4: {  	s25 =	simm.s32 $0x1B8E;
	s24 =	sld [smem:$0x3FFE];
	[sflag:s23] =	ssyncadd.s32 $0xFFFFFFFF  }
0xa5: {  	s26 =	simm.s32 $execute0_lowered;
	[smem:$0x3FD2] =	sst s25  }
0xa6: {  	s4 =	sshll.u32 s26, $0x1;
	_ =	strace $0x80000046;
	[dreg:$0x1] =	wrdreg $0xFFFFFFFF  }
0xa7: {  	s28 =	simm.s32 $_size_execute0_lowered;
	s2 =	sadd.s32 s2, s4;
	[dreg:$0x0] =	wrdreg $0x0  }
0xa8: {  	s4 =	sshll.u32 s28, $0x1;
	[dreg:$0x2] =	wrdreg s2  }
0xa9: {  	[dreg:$0x3] =	wrdreg s4  }
0xaa: {  	[dreg:$0x4] =	wrdreg $0xC0  }
0xab: {  	_ =	task [dreg:s6], $0x5FFFF  }
0xac: {  	[dreg:$0x1] =	wrdreg $0xFFFFFFFF  }
0xad: {  	[dreg:$0x0] =	wrdreg $0x60  }
0xae: {  	[dreg:$0x2] =	wrdreg s24  }
0xaf: {  	[dreg:$0x3] =	wrdreg $0x9B000  }
0xb0: {  	[dreg:$0x4] =	wrdreg $0x1DF000  }
0xb1: {  	[dreg:$0x5] =	wrdreg $0x9  }
0xb2: {  	_ =	task.clear_ibuf [dreg:s6], $0x6FFFF;
	_ =	strace $0x90000046  }
0xb3: {  	s29 =	simm.s32 $0x9;
	_ =	strace $0x80000048  }
0xb4: {  	_ =	swait.ge [sflag:s29], $0x1  }
0xb5: {  	[sflag:s29] =	ssyncadd.s32 $0xFFFFFFFF  }
0xb6: {  	_ =	strace $0x90000048  }
0xb7: {  	_ =	sfence  }
0xb8: {  	s30 =	sld [smem:$0x0];
	_ =	sdelay $0x2  }
0xb9: {  	s31 =	sshll.u32 s1, $0xD;
	s1 =	sshrl.u32 s1, $0x2  }
0xba: {  	s3 =	sand.u32 $0x4000, s31;
	s1 =	sadd.s32 s1, s30  }
0xbb: {  	s0 =	sor.u32 s3, s0;
	s1 =	sshll.u32 s1, $0x11  }
0xbc: {  	s0 =	sor.u32 s1, s0  }
0xbd: {  	s0 =	sadd.s32 $0x8F2B, s0  }
0xbe: {  	[sflag:s0] =	ssyncadd.remote.s32 $0x1  }
0xbf: {  	_ =	sfence.sel $0xFFFF  }
0xc0: {  	[dreg:$0x0] =	wrdreg $0xFFFFFFFF;
	(pc) =	sbr.abs _section_cstart, $3  }
0xc1: {  	[dreg:$0x1] =	wrdreg $0xFFFFFFFF  }
0xc2: {  	_ =	task.clear_ibuf [dreg:s6], $0x2FFFF;
	_ =	strace $0x9FFFFFFF  }
0xc3: {  	(tm) =	ssettm $0x7FFFFFFF  }
tec
execute0_lowered:
.L_overlay_start_1:
0x0: {  	(tag) =	ssettag $0x1  }
0x1: {  	s1 =	srdreg.scid  }
0x2: {  	s0 =	rddreg [dreg:$0x0];
	s13 =	stileid.u32;
	s31 =	simm.s32 $0x580  }
0x3: {  	s3 =	sand.u32 $0x1, s1;
	s5 =	smul.u32 $0x2800, s13;
	s6 =	sshll.u32 s13, $0x1  }
0x4: {  	s1 =	simm.s32 $0x0;
	s2 =	smul.u32 $0x1480, s13;
	s6 =	sor.u32 s3, s6  }
0x5: {  	s7 =	sadd.s32 $0x2A00, s0;
	s8 =	sadd.s32 $0x16A00, s0;
	s6 =	smul.u32 $0x2800, s6  }
0x6: {  	s9 =	sadd.s32 $0xCA00, s0;
	s30 =	sadd.s32 $0x20A00, s0;
	s4 =	smul.u32 $0x28000, s3  }
0x7: {  	[smem:$0x7FF] =	sst s1;
	s10 =	smul.u32 $0x14800, s3;
	s6 =	sshrl.u32 s6, $0x3  }
0x8: {  	s11 =	ssub.s32 $0x2, s3;
	s3 =	smul.u32 $0x2800, s3;
	s12 =	sadd.s32 s7, s6  }
0x9: {  	s26 =	sshrl.u32 s11, $0x1;
	s14 =	sadd.s32 s8, s6;
	[dreg:$0x4] =	wrdreg s12  }
0xa: {  	s15 =	sor.u32 $0x8, s6;
	[dreg:$0x5] =	wrdreg s14;
	s14 =	sadd.s32 s9, s6  }
0xb: {  	s4 =	sadd.s32 s5, s4;
	s16 =	sadd.s32 s7, s15;
	[dreg:$0x6] =	wrdreg s14  }
0xc: {  	s5 =	ssub.s32 s11, s26;
	s17 =	sadd.s32 s8, s15;
	[dreg:$0x7] =	wrdreg s16  }
0xd: {  	s18 =	sor.u32 $0x10, s6;
	s11 =	sadd.s32 s9, s15;
	[dreg:$0x8] =	wrdreg s17  }
0xe: {  	s10 =	sadd.s32 s2, s10;
	s19 =	sadd.s32 s7, s18;
	[dreg:$0x9] =	wrdreg s11  }
0xf: {  	s4 =	sadd.s32 s4, s0;
	s20 =	sadd.s32 s8, s18;
	[dreg:$0xa] =	wrdreg s19  }
0x10: {  	s4 =	sadd.s32 $0x50C00, s4;
	s12 =	smul.u32 $0x5000, s13;
	[dreg:$0xb] =	wrdreg s20  }
0x11: {  	s6 =	sor.u32 $0x18, s6;
	s11 =	sadd.s32 s9, s18;
	s20 =	rddreg [dreg:$0x1]  }
0x12: {  	s22 =	sadd.s32 s7, s6;
	s23 =	sadd.s32 s8, s6;
	[dreg:$0xc] =	wrdreg s11  }
0x13: {  	s6 =	sadd.s32 s9, s6;
	s16 =	sshrl.u32 s10, $0x3;
	[dreg:$0xd] =	wrdreg s22  }
0x14: {  	s10 =	sadd.s32 $0x4B400, s0;
	s3 =	sadd.s32 s3, s12;
	[dreg:$0xe] =	wrdreg s23  }
0x15: {  	[dreg:$0xf] =	wrdreg s6;
	s22 =	smul.u32 $0x51000, s13;
	s21 =	sor.u32 $0x1C0, s3  }
0x16: {  	s25 =	sor.u32 $0x180, s3;
	s14 =	sor.u32 $0x140, s3;
	s3 =	sor.u32 $0x100, s3  }
0x17: {  	s11 =	sshrl.u32 s21, $0x3;
	s6 =	sshrl.u32 s25, $0x3;
	s15 =	sshrl.u32 s14, $0x3  }
0x18: {  	s3 =	sshrl.u32 s3, $0x3;
	s25 =	rddreg [dreg:$0x2];
	s14 =	sshll.u32 s13, $0x6  }
0x19: {  	s24 =	sadd.s32 s11, s9;
	s26 =	sadd.s32 s11, s8;
	s11 =	sadd.s32 s11, s7  }
0x1a: {  	s17 =	sadd.s32 s6, s9;
	s18 =	sadd.s32 s6, s8;
	s19 =	sadd.s32 s6, s7  }
0x1b: {  	s21 =	sadd.s32 s15, s9;
	s23 =	sadd.s32 s15, s8;
	[dreg:$0x10] =	wrdreg s24  }
0x1c: {  	s28 =	sadd.s32 s3, s8;
	s29 =	sadd.s32 s3, s7;
	[dreg:$0x11] =	wrdreg s26  }
0x1d: {  	s8 =	sadd.s32 $0x48A00, s0;
	s6 =	simm.s32 $0x8;
	[dreg:$0x12] =	wrdreg s11  }
0x1e: {  	s24 =	sadd.s32 s15, s7;
	s26 =	sadd.s32 s3, s9;
	s3 =	sadd.s32 s16, s0  }
0x1f: {  	s9 =	smul.u32 $0x50000, s13;
	s0 =	sadd.s32 $0x4B800, s0;
	s11 =	sshrl.u32 s22, $0x2  }
0x20: {  	s16 =	smax.u32 s5, $0x1;
	_ =	strace $0x80000047;
	[dreg:$0x13] =	wrdreg s8  }
0x21: {  	s7 =	simm.s32 $0x180;
	s13 =	simm.s32 $0x6600;
	[dreg:$0x14] =	wrdreg s10  }
0x22: {  	s5 =	simm.s32 $0x7;
	[dreg:$0x15] =	wrdreg s0;
	s0 =	sadd.s32 s11, s20  }
0x23: {  	s10 =	sor.u32 $0x1C09, s14;
	s14 =	sadd.s32 s2, s25;
	[dreg:$0x18] =	wrdreg s4  }
0x24: {  	s3 =	sadd.s32 $0x4BA00, s3;
	[dreg:$0x1a] =	wrdreg s16;
	s11 =	simm.s32 $0x8600  }
0x25: {  	s8 =	simm.s32 $0x380;
	s2 =	simm.s32 $0x40;
	[dreg:$0x19] =	wrdreg s3  }
.Ltmp0:
0x26: {  	s4 =	simm.s32 $0x0;
	[dreg:$0x16] =	wrdreg s10;
	(pc) =	sbr.rel .LBB2_1-.Ltmp0, $4  }
0x27: {  	s12 =	sshrl.u32 s9, $0x2;
	s0 =	sshrl.u32 s0, $0x3;
	[dreg:$0x17] =	wrdreg s14  }
0x28: {  	s9 =	simm.s32 $0x9;
	s15 =	sadd.s32 s12, s20;
	[dreg:$0x1b] =	wrdreg s0  }
0x29: {  	s12 =	simm.s32 $0x4;
	s0 =	simm.s32 $0x6;
	s22 =	sshrl.u32 s15, $0x3  }
0x2a: {  	s15 =	simm.s32 $0x8680;
	[dreg:$0x1c] =	wrdreg s22;
	s22 =	simm.s32 $0x5  }
.LBB2_4:
0x2b: {  	[bflag:$0x0] =	sbarrier.arrive $0xFFFF  }
0x2c: {  	s10 =	rddreg [dreg:$0x16]  }
0x2d: {  	s3 =	rddreg [dreg:$0x18]  }
0x2e: {  	s4 =	rddreg [dreg:$0x1c]  }
0x2f: {  	[hbm:s3], [sflag:s10] =	dma.local [spmem:s4], $0x2800  }
0x30: {  	_ =	swait.ge [sflag:s9], $0x2800  }
0x31: {  	[sflag:s9] =	ssyncset.done $0x0  }
0x32: {  	s15 =	simm.s32 $0x8680;
	s14 =	rddreg [dreg:$0x17];
	[sflag:s9] =	ssyncadd.s32 $0xFFFFD800  }
0x33: {  	[tilespmem:s15], [sflag:$0x9] =	stream.linear.gather [spmem:s14], $0x1480, $0x38;
	[tilespmem:$0x1F380] =	vst v63  }
0x34: {  	_ =	swait.ge [sflag:s9], $0x1480  }
0x35: {  	[sflag:s9] =	ssyncset.done $0x0  }
0x36: {  	s16 =	rddreg [dreg:$0x19];
	[sflag:s9] =	ssyncadd.s32 $0xFFFFEB80  }
0x37: {  	[hbm4b:s16+s1] =	stream.linear.scatter [tilespmem:s15], [sflag:$0x9], $0x1480, $0x38;
	[tilespmem:$0x1F380] =	vst v63  }
0x38: {  	_ =	swait.ge [sflag:s9], $0x1480  }
0x39: {  	s3 =	rddreg [dreg:$0x1d]  }
0x3a: {  	s16 =	rddreg [dreg:$0x1a];
	s4 =	sadd.s32 $0x1, s3  }
0x3b: {  	p0 =	sne.s32 s4, s16  }
.Ltmp1:
0x3c: {  	_ = 	snop;
	(pc) =	sbr.rel @!p0 .LBB2_5-.Ltmp1, $3  }
0x3d: {  	_ =	sdelay $0x1  }
0x3e: {  	[sflag:s9] =	ssyncset.done $0x0  }
0x3f: {  	[sflag:s9] =	ssyncadd.s32 $0xFFFFEB80  }
.LBB2_1:
0x40: {  	[dreg:$0x1d] =	wrdreg s4  }
0x41: {  	s3 =	rddreg [dreg:$0x13]  }
0x42: {  	s16 =	rddreg [dreg:$0x1b]  }
0x43: {  	[spmem:s16], [sflag:s10] =	dma.local [hbm:s3], $0x2880  }
0x44: {  	_ =	swait.ge [sflag:s9], $0x2880  }
0x45: {  	[sflag:s9] =	ssyncset.done $0x0  }
0x46: {  	s10 =	rddreg [dreg:$0x14];
	[sflag:s9] =	ssyncadd.s32 $0xFFFFD780  }
0x47: {  	[tilespmem:s15], [sflag:$0x9] =	stream.linear.gather [hbm4b:s10+s1], $0x1480, $0x38;
	[tilespmem:$0x1F380] =	vst v63  }
0x48: {  	_ =	swait.ge [sflag:s9], $0x1480  }
0x49: {  	[sflag:s9] =	ssyncset.done $0x0  }
0x4a: {  	[sflag:s9] =	ssyncadd.s32 $0xFFFFEB80  }
0x4b: {  	[spmem:s14] =	stream.linear.scatter [tilespmem:s15], [sflag:$0x9], $0x1480, $0x38;
	[tilespmem:$0x1F380] =	vst v63  }
0x4c: {  	_ =	swait.ge [sflag:s9], $0x1480  }
0x4d: {  	[sflag:s9] =	ssyncset.done $0x0  }
0x4e: {  	s15 =	rddreg [dreg:$0x15];
	[sflag:s9] =	ssyncadd.s32 $0xFFFFEB80  }
0x4f: {  	[tilespmem:s11], [sflag:$0x9] =	stream.linear.gather [hbm4b:s15+s1], $0x80, $0x38;
	[tilespmem:$0x1F380] =	vst v63  }
0x50: {  	_ =	swait.ge [sflag:s9], $0x80  }
0x51: {  	[sflag:s9] =	ssyncset.done $0x0  }
0x52: {  	[sflag:s9] =	ssyncadd.s32 $0xFFFFFF80  }
0x53: {  	[bflag:$0x0] =	sbarrier.arrive $0xFFFF  }
0x54: {  	s16 =	rddreg [dreg:$0x4]  }
0x55: {  	[tilespmem:s1], [sflag:$0x1] =	stream.linear.gather [hbm4b:s16+s1], $0x40, $0x38;
	[tilespmem:$0x1F380] =	vst v63  }
0x56: {  	s10 =	simm.s32 $0x200;
	s4 =	rddreg [dreg:$0x5]  }
0x57: {  	[tilespmem:s10], [sflag:$0x1] =	stream.linear.gather [hbm4b:s4+s1], $0x40, $0x38;
	[tilespmem:$0x1F380] =	vst v63  }
0x58: {  	s15 =	simm.s32 $0x400;
	s14 =	rddreg [dreg:$0x6]  }
0x59: {  	[tilespmem:s15], [sflag:$0x1] =	stream.linear.gather [hbm4b:s14+s1], $0x40, $0x38;
	[tilespmem:$0x1F380] =	vst v63  }
0x5a: {  	s16 =	rddreg [dreg:$0x7];
	s4 =	simm.s32 $0x80  }
0x5b: {  	[tilespmem:s4], [sflag:$0x2] =	stream.linear.gather [hbm4b:s16+s1], $0x40, $0x38;
	[tilespmem:$0x1F380] =	vst v63  }
0x5c: {  	s10 =	rddreg [dreg:$0x8];
	s14 =	simm.s32 $0x280  }
0x5d: {  	[tilespmem:s14], [sflag:$0x2] =	stream.linear.gather [hbm4b:s10+s1], $0x40, $0x38;
	[tilespmem:$0x1F380] =	vst v63  }
0x5e: {  	s15 =	rddreg [dreg:$0x9];
	s16 =	simm.s32 $0x480  }
0x5f: {  	[tilespmem:s16], [sflag:$0x2] =	stream.linear.gather [hbm4b:s15+s1], $0x40, $0x38;
	[tilespmem:$0x1F380] =	vst v63  }
0x60: {  	s14 =	rddreg [dreg:$0xa];
	s10 =	simm.s32 $0x100  }
0x61: {  	[tilespmem:s10], [sflag:$0x3] =	stream.linear.gather [hbm4b:s14+s1], $0x40, $0x38;
	[tilespmem:$0x1F380] =	vst v63  }
0x62: {  	s15 =	rddreg [dreg:$0xb];
	s16 =	simm.s32 $0x300  }
0x63: {  	[tilespmem:s16], [sflag:$0x3] =	stream.linear.gather [hbm4b:s15+s1], $0x40, $0x38;
	[tilespmem:$0x1F380] =	vst v63  }
0x64: {  	s15 =	rddreg [dreg:$0xc];
	s16 =	simm.s32 $0x500  }
0x65: {  	[tilespmem:s16], [sflag:$0x3] =	stream.linear.gather [hbm4b:s15+s1], $0x40, $0x38;
	[tilespmem:$0x1F380] =	vst v63  }
0x66: {  	s14 =	rddreg [dreg:$0xd]  }
0x67: {  	[tilespmem:s7], [sflag:$0x4] =	stream.linear.gather [hbm4b:s14+s1], $0x40, $0x38;
	[tilespmem:$0x1F380] =	vst v63  }
0x68: {  	s15 =	rddreg [dreg:$0xe]  }
0x69: {  	[tilespmem:s8], [sflag:$0x4] =	stream.linear.gather [hbm4b:s15+s1], $0x40, $0x38;
	[tilespmem:$0x1F380] =	vst v63  }
0x6a: {  	s16 =	rddreg [dreg:$0xf];
	s14 =	simm.s32 $0x1  }
0x6b: {  	[tilespmem:s31], [sflag:$0x4] =	stream.linear.gather [hbm4b:s16+s1], $0x40, $0x38;
	[tilespmem:$0x1F380] =	vst v63  }
0x6c: {  	_ =	swait.ge [sflag:s14], $0x40  }
0x6d: {  	[sflag:s14] =	ssyncset.done $0x0  }
0x6e: {  	[sflag:s14] =	ssyncadd.s32 $0xFFFFFFC0  }
0x6f: {  	_ =	swait.ge [sflag:s14], $0x40  }
0x70: {  	[sflag:s14] =	ssyncset.done $0x0  }
0x71: {  	[sflag:s14] =	ssyncadd.s32 $0xFFFFFFC0  }
0x72: {  	_ =	swait.ge [sflag:s14], $0x40  }
0x73: {  	[sflag:s14] =	ssyncset.done $0x0  }
0x74: {  	s15 =	simm.s32 $0x600;
	s16 =	simm.s32 $0x2;
	[sflag:s14] =	ssyncadd.s32 $0xFFFFFFC0  }
0x75: {  	[tilespmem:s15], [sflag:$0x5] =	stream.indirect.gather [hbm4b:s30+s2], $0x80, s1, s2, $0xb8;
	[tilespmem:$0x1F380] =	vst v63  }
0x76: {  	_ =	swait.ge [sflag:s16], $0x40  }
0x77: {  	[sflag:s16] =	ssyncset.done $0x0  }
0x78: {  	[sflag:s16] =	ssyncadd.s32 $0xFFFFFFC0  }
0x79: {  	_ =	swait.ge [sflag:s16], $0x40  }
0x7a: {  	[sflag:s16] =	ssyncset.done $0x0  }
0x7b: {  	[sflag:s16] =	ssyncadd.s32 $0xFFFFFFC0  }
0x7c: {  	_ =	swait.ge [sflag:s16], $0x40  }
0x7d: {  	[sflag:s16] =	ssyncset.done $0x0  }
0x7e: {  	s14 =	simm.s32 $0x2600;
	s15 =	simm.s32 $0x3;
	[sflag:s16] =	ssyncadd.s32 $0xFFFFFFC0  }
0x7f: {  	[tilespmem:s14], [sflag:$0x6] =	stream.indirect.gather [hbm4b:s30+s2], $0x80, s4, s2, $0xb8;
	[tilespmem:$0x1F380] =	vst v63  }
0x80: {  	_ =	swait.ge [sflag:s15], $0x40  }
0x81: {  	[sflag:s15] =	ssyncset.done $0x0  }
0x82: {  	[sflag:s15] =	ssyncadd.s32 $0xFFFFFFC0  }
0x83: {  	_ =	swait.ge [sflag:s15], $0x40  }
0x84: {  	[sflag:s15] =	ssyncset.done $0x0  }
0x85: {  	[sflag:s15] =	ssyncadd.s32 $0xFFFFFFC0  }
0x86: {  	_ =	swait.ge [sflag:s15], $0x40  }
0x87: {  	[sflag:s15] =	ssyncset.done $0x0  }
0x88: {  	s3 =	simm.s32 $0x0;
	s16 =	simm.s32 $0x4600;
	[sflag:s15] =	ssyncadd.s32 $0xFFFFFFC0  }
0x89: {  	[tilespmem:s16], [sflag:$0x7] =	stream.indirect.gather [hbm4b:s30+s2], $0x80, s10, s2, $0xb8;
	[tilespmem:$0x1F380] =	vst v63  }
.LBB2_2:
0x8a: {  	_ =	swait.ge [sflag:s12], $0x40  }
0x8b: {  	[sflag:s12] =	ssyncset.done $0x0  }
0x8c: {  	[sflag:s12] =	ssyncadd.s32 $0xFFFFFFC0  }
0x8d: {  	_ =	swait.ge [sflag:s12], $0x40  }
0x8e: {  	[sflag:s12] =	ssyncset.done $0x0  }
0x8f: {  	[sflag:s12] =	ssyncadd.s32 $0xFFFFFFC0  }
0x90: {  	_ =	swait.ge [sflag:s12], $0x40  }
0x91: {  	[sflag:s12] =	ssyncset.done $0x0  }
0x92: {  	[sflag:s12] =	ssyncadd.s32 $0xFFFFFFC0  }
0x93: {  	[tilespmem:s13], [sflag:$0x8] =	stream.indirect.gather [hbm4b:s30+s2], $0x80, s7, s2, $0xb8;
	[tilespmem:$0x1F380] =	vst v63  }
0x94: {  	_ =	swait.ge [sflag:s22], $0x2000  }
0x95: {  	[sflag:s22] =	ssyncset.done $0x0  }
0x96: {  	s4 =	simm.s32 $0x200;
	s10 =	simm.s32 $0x600;
	[sflag:s22] =	ssyncadd.s32 $0xFFFFE000  }
0x97: {  	[spmem:s20] =	stream.indirect.scatter.add.f32 [tilespmem:s10], [sflag:$0x9], $0x80, s4, s2, $0xb8;
	[tilespmem:$0x1F380] =	vst v63  }
0x98: {  	_ =	swait.ge [sflag:s9], $0x2000  }
0x99: {  	[sflag:s9] =	ssyncset.done $0x0  }
0x9a: {  	s15 =	simm.s32 $0x400;
	[sflag:s9] =	ssyncadd.s32 $0xFFFFE000  }
0x9b: {  	[spmem:s25] =	stream.indirect.scatter.add.f32 [tilespmem:s11], [sflag:$0x9], $0x1, s15, s2, $0xb8;
	[tilespmem:$0x1F380] =	vst v63  }
0x9c: {  	_ =	swait.ge [sflag:s9], $0x40  }
0x9d: {  	p0 =	seq.s32 s3, $0x4E0;
	[sflag:s9] =	ssyncset.done $0x0  }
0x9e: {  	s10 =	sadd.s32 @!p0 s3, s29;
	s4 =	simm.s32 @!p0 $0x0;
	[sflag:s9] =	ssyncadd.s32 $0xFFFFFFC0  }
0x9f: {  	[tilespmem:s4], [sflag:$0x1] =	stream.linear.gather @!p0 [hbm4b:s10+s4], $0x40, $0x38;
	[tilespmem:$0x1F380] =	vst v63  }
0xa0: {  	s14 =	simm.s32 @!p0 $0x200;
	s10 =	sadd.s32 @!p0 s3, s28  }
0xa1: {  	[tilespmem:s14], [sflag:$0x1] =	stream.linear.gather @!p0 [hbm4b:s10+s4], $0x40, $0x38;
	[tilespmem:$0x1F380] =	vst v63  }
0xa2: {  	s10 =	sadd.s32 @!p0 s3, s26;
	s14 =	simm.s32 @!p0 $0x400  }
0xa3: {  	[tilespmem:s14], [sflag:$0x1] =	stream.linear.gather @!p0 [hbm4b:s10+s4], $0x40, $0x38;
	[tilespmem:$0x1F380] =	vst v63  }
0xa4: {  	s10 =	simm.s32 @!p0 $0x1  }
0xa5: {  	_ =	swait.ge @!p0 [sflag:s10], $0x40  }
0xa6: {  	[sflag:s10] =	ssyncset.done @!p0 $0x0  }
0xa7: {  	[sflag:s10] =	ssyncadd.s32 @!p0 $0xFFFFFFC0  }
0xa8: {  	_ =	swait.ge @!p0 [sflag:s10], $0x40  }
0xa9: {  	[sflag:s10] =	ssyncset.done @!p0 $0x0  }
0xaa: {  	[sflag:s10] =	ssyncadd.s32 @!p0 $0xFFFFFFC0  }
0xab: {  	_ =	swait.ge @!p0 [sflag:s10], $0x40  }
0xac: {  	[sflag:s10] =	ssyncset.done @!p0 $0x0  }
0xad: {  	s14 =	simm.s32 @!p0 $0x600;
	[sflag:s10] =	ssyncadd.s32 @!p0 $0xFFFFFFC0;
	s10 =	simm.s32 @!p0 $0x40  }
0xae: {  	[tilespmem:s14], [sflag:$0x5] =	stream.indirect.gather @!p0 [hbm4b:s30+s10], $0x80, s4, s10, $0xb8;
	[tilespmem:$0x1F380] =	vst v63  }
0xaf: {  	_ =	swait.ge [sflag:s0], $0x2000  }
0xb0: {  	[sflag:s0] =	ssyncset.done $0x0  }
0xb1: {  	s16 =	simm.s32 $0x280;
	s15 =	simm.s32 $0x2600;
	[sflag:s0] =	ssyncadd.s32 $0xFFFFE000  }
0xb2: {  	[spmem:s20] =	stream.indirect.scatter.add.f32 [tilespmem:s15], [sflag:$0x9], $0x80, s16, s2, $0xb8;
	[tilespmem:$0x1F380] =	vst v63  }
0xb3: {  	_ =	swait.ge [sflag:s9], $0x2000  }
0xb4: {  	[sflag:s9] =	ssyncset.done $0x0  }
0xb5: {  	s16 =	simm.s32 $0x480;
	[sflag:s9] =	ssyncadd.s32 $0xFFFFE000  }
0xb6: {  	[spmem:s25] =	stream.indirect.scatter.add.f32 [tilespmem:s11], [sflag:$0x9], $0x1, s16, s2, $0xb8;
	[tilespmem:$0x1F380] =	vst v63  }
0xb7: {  	_ =	swait.ge [sflag:s9], $0x40  }
0xb8: {  	[sflag:s9] =	ssyncset.done $0x0  }
0xb9: {  	s14 =	sadd.s32 @!p0 s3, s24;
	s15 =	simm.s32 @!p0 $0x80;
	[sflag:s9] =	ssyncadd.s32 $0xFFFFFFC0  }
0xba: {  	[tilespmem:s15], [sflag:$0x2] =	stream.linear.gather @!p0 [hbm4b:s14+s4], $0x40, $0x38;
	[tilespmem:$0x1F380] =	vst v63  }
0xbb: {  	s16 =	simm.s32 @!p0 $0x280;
	s14 =	sadd.s32 @!p0 s3, s23  }
0xbc: {  	[tilespmem:s16], [sflag:$0x2] =	stream.linear.gather @!p0 [hbm4b:s14+s4], $0x40, $0x38;
	[tilespmem:$0x1F380] =	vst v63  }
0xbd: {  	s14 =	sadd.s32 @!p0 s3, s21;
	s16 =	simm.s32 @!p0 $0x480  }
0xbe: {  	[tilespmem:s16], [sflag:$0x2] =	stream.linear.gather @!p0 [hbm4b:s14+s4], $0x40, $0x38;
	[tilespmem:$0x1F380] =	vst v63  }
0xbf: {  	s14 =	simm.s32 @!p0 $0x2  }
0xc0: {  	_ =	swait.ge @!p0 [sflag:s14], $0x40  }
0xc1: {  	[sflag:s14] =	ssyncset.done @!p0 $0x0  }
0xc2: {  	[sflag:s14] =	ssyncadd.s32 @!p0 $0xFFFFFFC0  }
0xc3: {  	_ =	swait.ge @!p0 [sflag:s14], $0x40  }
0xc4: {  	[sflag:s14] =	ssyncset.done @!p0 $0x0  }
0xc5: {  	[sflag:s14] =	ssyncadd.s32 @!p0 $0xFFFFFFC0  }
0xc6: {  	_ =	swait.ge @!p0 [sflag:s14], $0x40  }
0xc7: {  	[sflag:s14] =	ssyncset.done @!p0 $0x0  }
0xc8: {  	[sflag:s14] =	ssyncadd.s32 @!p0 $0xFFFFFFC0;
	s14 =	simm.s32 @!p0 $0x2600  }
0xc9: {  	[tilespmem:s14], [sflag:$0x6] =	stream.indirect.gather @!p0 [hbm4b:s30+s10], $0x80, s15, s10, $0xb8;
	[tilespmem:$0x1F380] =	vst v63  }
0xca: {  	_ =	swait.ge [sflag:s5], $0x2000  }
0xcb: {  	[sflag:s5] =	ssyncset.done $0x0  }
0xcc: {  	s16 =	simm.s32 $0x4600;
	s15 =	simm.s32 $0x300;
	[sflag:s5] =	ssyncadd.s32 $0xFFFFE000  }
0xcd: {  	[spmem:s20] =	stream.indirect.scatter.add.f32 [tilespmem:s16], [sflag:$0x9], $0x80, s15, s2, $0xb8;
	[tilespmem:$0x1F380] =	vst v63  }
0xce: {  	_ =	swait.ge [sflag:s9], $0x2000  }
0xcf: {  	[sflag:s9] =	ssyncset.done $0x0  }
0xd0: {  	s16 =	simm.s32 $0x500;
	[sflag:s9] =	ssyncadd.s32 $0xFFFFE000  }
0xd1: {  	[spmem:s25] =	stream.indirect.scatter.add.f32 [tilespmem:s11], [sflag:$0x9], $0x1, s16, s2, $0xb8;
	[tilespmem:$0x1F380] =	vst v63  }
0xd2: {  	_ =	swait.ge [sflag:s9], $0x40  }
0xd3: {  	[sflag:s9] =	ssyncset.done $0x0  }
0xd4: {  	s14 =	sadd.s32 @!p0 s3, s19;
	s15 =	simm.s32 @!p0 $0x100;
	[sflag:s9] =	ssyncadd.s32 $0xFFFFFFC0  }
0xd5: {  	[tilespmem:s15], [sflag:$0x3] =	stream.linear.gather @!p0 [hbm4b:s14+s4], $0x40, $0x38;
	[tilespmem:$0x1F380] =	vst v63  }
0xd6: {  	s16 =	simm.s32 @!p0 $0x300;
	s14 =	sadd.s32 @!p0 s3, s18  }
0xd7: {  	[tilespmem:s16], [sflag:$0x3] =	stream.linear.gather @!p0 [hbm4b:s14+s4], $0x40, $0x38;
	[tilespmem:$0x1F380] =	vst v63  }
0xd8: {  	s14 =	sadd.s32 @!p0 s3, s17;
	s16 =	simm.s32 @!p0 $0x500  }
0xd9: {  	[tilespmem:s16], [sflag:$0x3] =	stream.linear.gather @!p0 [hbm4b:s14+s4], $0x40, $0x38;
	[tilespmem:$0x1F380] =	vst v63  }
0xda: {  	s4 =	simm.s32 @!p0 $0x3  }
0xdb: {  	_ =	swait.ge @!p0 [sflag:s4], $0x40  }
0xdc: {  	[sflag:s4] =	ssyncset.done @!p0 $0x0  }
0xdd: {  	[sflag:s4] =	ssyncadd.s32 @!p0 $0xFFFFFFC0  }
0xde: {  	_ =	swait.ge @!p0 [sflag:s4], $0x40  }
0xdf: {  	[sflag:s4] =	ssyncset.done @!p0 $0x0  }
0xe0: {  	[sflag:s4] =	ssyncadd.s32 @!p0 $0xFFFFFFC0  }
0xe1: {  	_ =	swait.ge @!p0 [sflag:s4], $0x40  }
0xe2: {  	[sflag:s4] =	ssyncset.done @!p0 $0x0  }
0xe3: {  	[sflag:s4] =	ssyncadd.s32 @!p0 $0xFFFFFFC0;
	s4 =	simm.s32 @!p0 $0x4600  }
0xe4: {  	[tilespmem:s4], [sflag:$0x7] =	stream.indirect.gather @!p0 [hbm4b:s30+s10], $0x80, s15, s10, $0xb8;
	[tilespmem:$0x1F380] =	vst v63  }
0xe5: {  	_ =	swait.ge [sflag:s6], $0x2000  }
0xe6: {  	[sflag:s6] =	ssyncset.done $0x0  }
0xe7: {  	[sflag:s6] =	ssyncadd.s32 $0xFFFFE000  }
0xe8: {  	[spmem:s20] =	stream.indirect.scatter.add.f32 [tilespmem:s13], [sflag:$0x9], $0x80, s8, s2, $0xb8;
	[tilespmem:$0x1F380] =	vst v63  }
0xe9: {  	_ =	swait.ge [sflag:s9], $0x2000  }
0xea: {  	[sflag:s9] =	ssyncset.done $0x0  }
.Ltmp2:
0xeb: {  	[sflag:s9] =	ssyncadd.s32 $0xFFFFE000;
	(pc) =	sbr.rel @p0 .LBB2_4-.Ltmp2, $4  }
0xec: {  	[spmem:s25] =	stream.indirect.scatter.add.f32 [tilespmem:s11], [sflag:$0x9], $0x1, s31, s2, $0xb8;
	[tilespmem:$0x1F380] =	vst v63  }
0xed: {  	_ =	swait.ge [sflag:s9], $0x40  }
0xee: {  	[sflag:s9] =	ssyncset.done $0x0  }
0xef: {  	[sflag:s9] =	ssyncadd.s32 $0xFFFFFFC0  }
0xf0: {  	s4 =	rddreg [dreg:$0x12]  }
0xf1: {  	s4 =	sadd.s32 s3, s4  }
0xf2: {  	[tilespmem:s7], [sflag:$0x4] =	stream.linear.gather [hbm4b:s4+s1], $0x40, $0x38;
	[tilespmem:$0x1F380] =	vst v63  }
.Ltmp3:
0xf3: {  	s15 =	rddreg [dreg:$0x11];
	(pc) =	sbr.rel .LBB2_2-.Ltmp3, $4  }
0xf4: {  	s16 =	rddreg [dreg:$0x10];
	s4 =	sadd.s32 s3, s15  }
0xf5: {  	[tilespmem:s8], [sflag:$0x4] =	stream.linear.gather [hbm4b:s4+s1], $0x40, $0x38;
	[tilespmem:$0x1F380] =	vst v63  }
0xf6: {  	s4 =	sadd.s32 s3, s16;
	s3 =	sadd.s32 $0x20, s3  }
0xf7: {  	[tilespmem:s31], [sflag:$0x4] =	stream.linear.gather [hbm4b:s4+s1], $0x40, $0x38;
	[tilespmem:$0x1F380] =	vst v63  }
.LBB2_5:
0xf8: {  	_ =	sfence.sel $0x180000  }
0xf9: {  	[bflag:$0x0] =	sbarrier.arrive $0xFFFF  }
0xfa: {  	_ =	strace $0x90000047  }
0xfb: {  	s0 =	stileid.u32;
	[bflag:$0x2] =	sbarrier.arrive $0xFFFF  }
0xfc: {  	p0 =	sne.s32 s0, $0x0;
	s0 =	rddreg [dreg:$0x3]  }
0xfd: {  	s0 =	sadd.s32 @!p0 $0x100000, s0  }
0xfe: {  	[sflag:s0] =	ssyncadd.tile.s32 @!p0 $0x1;
	_ =	shalt  }
.Lfunc_end2:
_tile_overlayer_lowered:
.L_overlay_start_2:
0xff: {  	(tag) =	ssettag $0x2  }
0x100: {  	s0 =	rddreg [dreg:$0x0];
	s2 =	stileid.u32  }
0x101: {  	s1 =	rddreg [dreg:$0x1];
	p0 =	sne.s32 s2, $0x0  }
0x102: {  	s3 =	rddreg [dreg:$0x2];
	[bflag:$0x3] =	sbarrier.arrive $0xFFFF;
	s2 =	simm.s32 @!p0 $0x1C09  }
0x103: {  	[timem:s3], [sflag:s2] =	dma.local @!p0 [hbm:s0], s1  }
0x104: {  	s0 =	simm.s32 @!p0 $0x9  }
0x105: {  	_ =	swait.ge @!p0 [sflag:s0], s1  }
0x106: {  	s1 =	ssub.s32 @!p0 $0x0, s1;
	[sflag:s0] =	ssyncset.done @!p0 $0x0  }
0x107: {  	[sflag:s0] =	ssyncadd.s32 @!p0 s1  }
0x108: {  	[bflag:$0x3] =	sbarrier.arrive $0xFFFF  }
0x109: {  	_ =	shalt  }

// kernel: kernel.9.cloned.1.call-start
scs
__scs_entry_jumppad:
0x0: {  	(pc) =	sbr.rel $0x88, $3  }
0x1: {  	(tag) =	ssettag $0x0;
	lr =	simm.s32 $0x1  }
0x2: {  	[smem:$0x3F97] =	sst lr;
	_ =	strace $0xD0000000  }
0x3: {  	_ = 	snop  }
0x4: {  	_ = 	snop  }
0x5: {  	_ = 	snop  }
0x6: {  	_ = 	snop  }
0x7: {  	_ = 	snop  }
__scs_overlays_trampoline_lowered:
0x8: {  	[smem:$0x3FA6] =	sst s0  }
0x9: {  	[smem:$0x3FA7] =	sst s1  }
0xa: {  	[smem:$0x3FA8] =	sst s2  }
0xb: {  	[smem:$0x3FA9] =	sst s3  }
0xc: {  	[smem:$0x3FAA] =	sst s4  }
0xd: {  	[smem:$0x3FAB] =	sst s5  }
0xe: {  	[smem:$0x3FAC] =	sst s6  }
0xf: {  	[smem:$0x3FAD] =	sst s7  }
0x10: {  	[smem:$0x3FAE] =	sst s8  }
0x11: {  	[smem:$0x3FAF] =	sst s9;
	s0 =	simm.s32 @!p0 $0x0  }
0x12: {  	s1 =	sld [smem:$0x3F95];
	s0 =	simm.s32 @p0 $0x1  }
0x13: {  	[smem:$0x3FB0] =	sst s0;
	s0 =	simm.s32 @!p1 $0x0  }
0x14: {  	s2 =	sld [smem:$0x3F94];
	s0 =	simm.s32 @p1 $0x1  }
0x15: {  	[smem:$0x3FB1] =	sst s0;
	s0 =	simm.s32 @!p2 $0x0  }
0x16: {  	s3 =	sld [smem:$0x3FDB];
	s0 =	simm.s32 @p2 $0x1  }
0x17: {  	s4 =	simm.s32 $0x1BF5;
	[smem:$0x3FB3] =	sst s0  }
0x18: {  	s0 =	sld [smem:$0x3F96];
	_ =	swait.ge [sflag:s4], $0x0  }
0x19: {  	s7 =	sld [smem:$0x3F97]  }
0x1a: {  	s8 =	sadd.s32 $0xFFFFE003, lr  }
0x1b: {  	s9 =	sadd.s32 $0xFFFFFEF7, lr;
	s5 =	simm.s32 $0xFFFFFFFF;
	p2 =	slt.u32 s8, $0xFFFFF086  }
0x1c: {  	p1 =	slt.u32 s9, $0xF7A;
	s5 =	simm.s32 @!p2 $0x0  }
0x1d: {  	s5 =	simm.s32 @p1 $0x1;
	p0 =	seq.s32 s7, s2  }
0x1e: {  	s7 =	smul.u32 @!p0 $0xF7A, s2;
	p2 =	seq.s32 @!p0 s5, $0x0  }
0x1f: {  	s9 =	smul.u32 $0xF7A, s1;
	s8 =	simm.s32 @!p0 $0x1BF5;
	p2 =	por !p2, p0  }
0x20: {  	[sflag:s8] =	ssyncset.s32 @!p0 $0xFFFFF086;
	s6 =	sadd.s32 @!p0 s3, s7;
	s7 =	simm.s32 @!p0 $0x108  }
0x21: {  	s3 =	sadd.s32 s3, s9;
	s6 =	sadd.s32 @!p0 $0x88, s6;
	s7 =	simm.s32 @p2 $0x1082  }
0x22: {  	[simem:s7], [sflag:s8] =	dma.local @!p0 [hbm:s6], $0xF7A  }
0x23: {  	s9 =	sor.u32 $0xD0000000, s2;
	s6 =	simm.s32 $0x108;
	_ =	swait.ge @!p0 [sflag:s8], $0x0  }
0x24: {  	s3 =	sadd.s32 $0x88, s3;
	s6 =	simm.s32 @!p1 $0x1082;
	[sflag:s4] =	ssyncset.s32 $0xFFFFF086  }
0x25: {  	[simem:s6], [sflag:s4] =	dma.local [hbm:s3], $0xF7A  }
0x26: {  	[smem:$0x3F97] =	sst s1;
	(tag) =	ssettag s2;
	_ =	strace s9  }
0x27: {  	s1 =	sld [smem:$0x3FA7]  }
0x28: {  	s2 =	sld [smem:$0x3FA8]  }
0x29: {  	s4 =	sld [smem:$0x3FAA]  }
0x2a: {  	p0 =	seq.s32 s5, $0x0;
	s5 =	sld [smem:$0x3FAB]  }
0x2b: {  	s6 =	sld [smem:$0x3FAC]  }
0x2c: {  	s7 =	sld [smem:$0x3FAD]  }
0x2d: {  	s3 =	simm.s32 $0x108;
	s8 =	sld [smem:$0x3FAE]  }
0x2e: {  	s3 =	simm.s32 @!p0 $0x1082;
	s9 =	sld [smem:$0x3FAF]  }
0x2f: {  	lr =	sadd.s32 s0, s3;
	s0 =	sld [smem:$0x3FA6]  }
0x30: {  	s3 =	sld [smem:$0x3FA9]  }
0x31: {  	[smem:$0x3FB2] =	sst s10  }
0x32: {  	s10 =	sld [smem:$0x3FB0];
	_ =	sdelay $0x3  }
0x33: {  	p0 =	seq.s32 s10, $0x1;
	s10 =	sld [smem:$0x3FB2];
	_ =	sdelay $0x3  }
0x34: {  	[smem:$0x3FB2] =	sst s10  }
0x35: {  	s10 =	sld [smem:$0x3FB1];
	_ =	sdelay $0x3  }
0x36: {  	p1 =	seq.s32 s10, $0x1;
	s10 =	sld [smem:$0x3FB2];
	_ =	sdelay $0x3  }
0x37: {  	[smem:$0x3FB2] =	sst s10  }
0x38: {  	s10 =	sld [smem:$0x3FB3]  }
0x39: {  	_ = 	snop;
	(pc) =	sbr.ind lr, $3  }
0x3a: {  	_ = 	snop  }
0x3b: {  	_ = 	snop  }
0x3c: {  	p2 =	seq.s32 s10, $0x1;
	s10 =	sld [smem:$0x3FB2]  }
0x3d: {  	_ =	shalt  }
0x3e: {  	_ =	shalt  }
0x3f: {  	_ =	shalt  }
0x40: {  	_ =	shalt  }
0x41: {  	_ =	shalt  }
0x42: {  	_ =	shalt  }
0x43: {  	_ =	shalt  }
0x44: {  	_ =	shalt  }
0x45: {  	_ =	shalt  }
0x46: {  	_ =	shalt  }
0x47: {  	_ =	shalt  }
0x48: {  	_ =	shalt  }
0x49: {  	_ =	shalt  }
0x4a: {  	_ =	shalt  }
0x4b: {  	_ =	shalt  }
0x4c: {  	_ =	shalt  }
0x4d: {  	_ =	shalt  }
0x4e: {  	_ =	shalt  }
0x4f: {  	_ =	shalt  }
0x50: {  	_ =	shalt  }
0x51: {  	_ =	shalt  }
0x52: {  	_ =	shalt  }
0x53: {  	_ =	shalt  }
0x54: {  	_ =	shalt  }
0x55: {  	_ =	shalt  }
0x56: {  	_ =	shalt  }
0x57: {  	_ =	shalt  }
0x58: {  	_ =	shalt  }
0x59: {  	_ =	shalt  }
0x5a: {  	_ =	shalt  }
0x5b: {  	_ =	shalt  }
0x5c: {  	_ =	shalt  }
0x5d: {  	_ =	shalt  }
0x5e: {  	_ =	shalt  }
0x5f: {  	_ =	shalt  }
0x60: {  	_ =	shalt  }
0x61: {  	_ =	shalt  }
0x62: {  	_ =	shalt  }
0x63: {  	_ =	shalt  }
0x64: {  	_ =	shalt  }
0x65: {  	_ =	shalt  }
0x66: {  	_ =	shalt  }
0x67: {  	_ =	shalt  }
0x68: {  	_ =	shalt  }
0x69: {  	_ =	shalt  }
0x6a: {  	_ =	shalt  }
0x6b: {  	_ =	shalt  }
0x6c: {  	_ =	shalt  }
0x6d: {  	_ =	shalt  }
0x6e: {  	_ =	shalt  }
0x6f: {  	_ =	shalt  }
0x70: {  	_ =	shalt  }
0x71: {  	_ =	shalt  }
0x72: {  	_ =	shalt  }
0x73: {  	_ =	shalt  }
0x74: {  	_ =	shalt  }
0x75: {  	_ =	shalt  }
0x76: {  	_ =	shalt  }
0x77: {  	_ =	shalt  }
0x78: {  	_ =	shalt  }
0x79: {  	_ =	shalt  }
0x7a: {  	_ =	shalt  }
0x7b: {  	_ =	shalt  }
0x7c: {  	_ =	shalt  }
0x7d: {  	_ =	shalt  }
0x7e: {  	_ =	shalt  }
0x7f: {  	_ =	shalt  }
0x80: {  	_ =	shalt  }
0x81: {  	_ =	shalt  }
0x82: {  	_ =	shalt  }
0x83: {  	_ =	shalt  }
0x84: {  	_ =	shalt  }
0x85: {  	_ =	shalt  }
0x86: {  	_ =	shalt  }
0x87: {  	_ =	shalt  }
.Lfunc_end0:
.L_simem_size_0:
called_computation.1_lowered:
.L_overlay_start_0:
0x88: {  	s2 =	sld [smem:$0x3FD9]  }
0x89: {  	s3 =	sld [smem:$0x3FFE];
	_ =	sdelay $0x1  }
0x8a: {  	s1 =	srdreg.scid  }
0x8b: {  	s0 =	sand.u32 $0x1, s1  }
0x8c: {  	s17 =	sshll.u32 s0, $0xA;
	s2 =	sadd.s32 s3, s2  }
0x8d: {  	s2 =	sadd.s32 s2, s17  }
0x8e: {  	[smem:$0x3FBE] =	sst s2  }
0x8f: {  	_ = 	snop  }
0x90: {  	s2 =	sld [smem:$0x3FD0];
	(tm) =	ssettm $0x1  }
0x91: {  	s18 =	sld [smem:$0x3FFB];
	_ =	sdelay $0x3  }
0x92: {  	_ =	strace s18  }
0x93: {  	s3 =	sld [smem:$0x3FFC];
	_ =	sdelay $0x3  }
0x94: {  	_ =	strace s3  }
0x95: {  	s3 =	sld [smem:$0x3FFD];
	_ =	sdelay $0x3  }
0x96: {  	_ =	strace s3  }
0x97: {  	_ =	strace $0x8FFFFFFF  }
0x98: {  	s19 =	sld [smem:$0x3FDB];
	_ =	sdelay $0x1  }
0x99: {  	s4 =	simm.s32 $_scs_section_size  }
0x9a: {  	s5 =	simm.s32 $_size__tile_overlayer_lowered;
	s6 =	simm.s32 $_tile_overlayer_lowered  }
0x9b: {  	s22 =	simm.s32 $0x1BFF;
	s21 =	sshll.u32 s6, $0x1;
	s3 =	sadd.s32 s4, s19  }
0x9c: {  	s7 =	simm.s32 $0x0;
	s20 =	sshll.u32 s5, $0x1;
	s5 =	sadd.s32 s21, s3  }
0x9d: {  	[timem:s7], [sflag:s22] =	dma.local [hbm:s5], s20  }
0x9e: {  	_ =	swait.ge [sflag:s22], s20  }
0x9f: {  	s4 =	ssub.s32 $0x0, s20;
	[sflag:s22] =	ssyncset.done $0x0  }
0xa0: {  	[sflag:s22] =	ssyncadd.s32 s4;
	_ =	sdelay $0x1  }
0xa1: {  	s23 =	simm.s32 $0x1B8B  }
0xa2: {  	_ =	swait.ge [sflag:s23], $0x1  }
0xa3: {  	[sflag:s23] =	ssyncset.done $0x0  }
0xa4: {  	s25 =	simm.s32 $0x1B8E;
	s24 =	sld [smem:$0x3FFE];
	[sflag:s23] =	ssyncadd.s32 $0xFFFFFFFF  }
0xa5: {  	s26 =	simm.s32 $execute0_lowered;
	[smem:$0x3FD2] =	sst s25  }
0xa6: {  	s5 =	sshll.u32 s26, $0x1;
	_ =	strace $0x80000049;
	[dreg:$0x1] =	wrdreg $0xFFFFFFFF  }
0xa7: {  	s28 =	simm.s32 $_size_execute0_lowered;
	s3 =	sadd.s32 s3, s5;
	[dreg:$0x0] =	wrdreg $0x0  }
0xa8: {  	s5 =	sshll.u32 s28, $0x1;
	[dreg:$0x2] =	wrdreg s3  }
0xa9: {  	[dreg:$0x3] =	wrdreg s5  }
0xaa: {  	[dreg:$0x4] =	wrdreg $0xC0  }
0xab: {  	_ =	task [dreg:s7], $0x5FFFF  }
0xac: {  	[dreg:$0x1] =	wrdreg $0xFFFFFFFF  }
0xad: {  	[dreg:$0x0] =	wrdreg $0x60  }
0xae: {  	[dreg:$0x2] =	wrdreg s24  }
0xaf: {  	[dreg:$0x3] =	wrdreg s2  }
0xb0: {  	[dreg:$0x4] =	wrdreg $0x84000  }
0xb1: {  	[dreg:$0x5] =	wrdreg $0x9  }
0xb2: {  	_ =	task.clear_ibuf [dreg:s7], $0x6FFFF;
	_ =	strace $0x90000049  }
0xb3: {  	s29 =	simm.s32 $0x9;
	_ =	strace $0x8000004B  }
0xb4: {  	_ =	swait.ge [sflag:s29], $0x1  }
0xb5: {  	[sflag:s29] =	ssyncadd.s32 $0xFFFFFFFF  }
0xb6: {  	_ =	strace $0x9000004B  }
0xb7: {  	_ =	sfence  }
0xb8: {  	s30 =	sld [smem:$0x0];
	_ =	sdelay $0x2  }
0xb9: {  	s31 =	sshll.u32 s1, $0xD;
	s1 =	sshrl.u32 s1, $0x2  }
0xba: {  	s3 =	sand.u32 $0x4000, s31;
	s1 =	sadd.s32 s1, s30  }
0xbb: {  	s0 =	sor.u32 s3, s0;
	s1 =	sshll.u32 s1, $0x11  }
0xbc: {  	s0 =	sor.u32 s1, s0  }
0xbd: {  	s0 =	sadd.s32 $0x8F2B, s0  }
0xbe: {  	[sflag:s0] =	ssyncadd.remote.s32 $0x1  }
0xbf: {  	_ =	sfence.sel $0xFFFF  }
0xc0: {  	[dreg:$0x0] =	wrdreg $0xFFFFFFFF;
	(pc) =	sbr.abs _section_cstart, $3  }
0xc1: {  	[dreg:$0x1] =	wrdreg $0xFFFFFFFF  }
0xc2: {  	_ =	task.clear_ibuf [dreg:s7], $0x2FFFF;
	_ =	strace $0x9FFFFFFF  }
0xc3: {  	(tm) =	ssettm $0x7FFFFFFF  }
tec
execute0_lowered:
.L_overlay_start_1:
0x0: {  	(tag) =	ssettag $0x1  }
0x1: {  	s0 =	rddreg [dreg:$0x0]  }
0x2: {  	s2 =	rddreg [dreg:$0x1]  }
0x3: {  	s1 =	rddreg [dreg:$0x2]  }
0x4: {  	s3 =	srdreg.scid;
	s12 =	stileid.u32  }
0x5: {  	s29 =	simm.s32 $0x100;
	s30 =	simm.s32 $0x300;
	s7 =	smul.u32 $0x2800, s12  }
0x6: {  	s31 =	simm.s32 $0x180;
	s28 =	simm.s32 $0x40;
	s25 =	smul.u32 $0x51000, s12  }
0x7: {  	s5 =	sand.u32 $0x1, s3;
	s3 =	simm.s32 $0x0;
	s26 =	smul.u32 $0x5000, s12  }
0x8: {  	s4 =	sadd.s32 $0x4B400, s0;
	s9 =	sadd.s32 $0x16A00, s0;
	s17 =	smul.u32 $0x50000, s12  }
0x9: {  	s10 =	sadd.s32 $0x48A00, s0;
	s14 =	sshll.u32 s12, $0x6;
	s20 =	smul.u32 $0xA00, s12  }
0xa: {  	s12 =	simm.s32 $0x4;
	s6 =	smul.u32 $0x28000, s5;
	[smem:$0x7FF] =	sst s3  }
0xb: {  	s8 =	smul.u32 $0x50000, s5;
	s5 =	ssub.s32 $0x2, s5;
	_ =	strace $0x8000004A  }
0xc: {  	[dreg:$0x4] =	wrdreg s10;
	s13 =	sshrl.u32 s5, $0x1;
	s10 =	sshrl.u32 s25, $0x2  }
0xd: {  	s6 =	sadd.s32 s7, s6;
	s5 =	ssub.s32 s5, s13;
	s8 =	sadd.s32 s26, s8  }
0xe: {  	s10 =	sadd.s32 s10, s1;
	s7 =	sshrl.u32 s26, $0x3;
	s0 =	sadd.s32 s6, s0  }
0xf: {  	s11 =	sshrl.u32 s8, $0x3;
	s6 =	sor.u32 $0x1C09, s14;
	s13 =	sadd.s32 s9, s7  }
0x10: {  	s7 =	sshrl.u32 s17, $0x2;
	s21 =	sor.u32 $0x100, s8;
	s5 =	smax.u32 s5, $0x1  }
0x11: {  	s17 =	sadd.s32 s20, s9;
	s22 =	sor.u32 $0x140, s8;
	s23 =	sor.u32 $0x180, s8  }
0x12: {  	s8 =	sor.u32 $0x1C0, s8;
	s25 =	sshrl.u32 s10, $0x3;
	[dreg:$0x7] =	wrdreg s13  }
0x13: {  	s10 =	simm.s32 $0x3;
	s11 =	sadd.s32 s2, s11;
	[dreg:$0xf] =	wrdreg s5  }
0x14: {  	s16 =	sadd.s32 $0x8, s13;
	s18 =	sadd.s32 $0x10, s13;
	[dreg:$0x10] =	wrdreg s25  }
0x15: {  	s19 =	sadd.s32 $0x18, s13;
	s7 =	sadd.s32 s7, s1;
	[dreg:$0x5] =	wrdreg s6  }
0x16: {  	s0 =	sadd.s32 $0xF2C00, s0;
	s5 =	sshrl.u32 s23, $0x3;
	[dreg:$0x9] =	wrdreg s16  }
0x17: {  	s24 =	sshrl.u32 s8, $0x3;
	s23 =	simm.s32 $0x9;
	[dreg:$0xb] =	wrdreg s18  }
0x18: {  	s13 =	simm.s32 $0x6400;
	s15 =	sadd.s32 $0x8, s11;
	[dreg:$0x6] =	wrdreg s11  }
0x19: {  	s14 =	sadd.s32 $0x10, s11;
	s11 =	sadd.s32 $0x18, s11;
	[dreg:$0xd] =	wrdreg s19  }
0x1a: {  	[dreg:$0xe] =	wrdreg s0;
	s0 =	sshrl.u32 s21, $0x3;
	s20 =	sadd.s32 s5, s2  }
0x1b: {  	s21 =	sadd.s32 s24, s2;
	s24 =	simm.s32 $0x200;
	s26 =	sshrl.u32 s7, $0x3  }
.Ltmp0:
0x1c: {  	s5 =	simm.s32 $0x400;
	[dreg:$0x8] =	wrdreg s15;
	(pc) =	sbr.rel .LBB2_1-.Ltmp0, $4  }
0x1d: {  	s16 =	simm.s32 $0x8;
	s7 =	simm.s32 $0x0;
	[dreg:$0xa] =	wrdreg s14  }
0x1e: {  	[dreg:$0xc] =	wrdreg s11;
	s18 =	sadd.s32 s0, s2;
	s0 =	sshrl.u32 s22, $0x3  }
0x1f: {  	[dreg:$0x11] =	wrdreg s26;
	s11 =	simm.s32 $0x4400;
	s14 =	simm.s32 $0x5  }
0x20: {  	s15 =	simm.s32 $0x7;
	s19 =	sadd.s32 s0, s2;
	s0 =	simm.s32 $0x380  }
.LBB2_4:
0x21: {  	_ =	swait.ge [sflag:s16], $0x2000  }
0x22: {  	[sflag:s16] =	ssyncset.done $0x0  }
0x23: {  	[sflag:s16] =	ssyncadd.s32 $0xFFFFE000  }
0x24: {  	[spmem:s1] =	stream.indirect.scatter.add.f32 [tilespmem:s13], [sflag:$0x9], $0x80, s0, s28, $0xb8;
	[tilespmem:$0x1C800] =	vst v63  }
0x25: {  	_ =	swait.ge [sflag:s23], $0x2000  }
0x26: {  	[sflag:s23] =	ssyncset.done $0x0  }
0x27: {  	[sflag:s23] =	ssyncadd.s32 $0xFFFFE000  }
0x28: {  	[bflag:$0x0] =	sbarrier.arrive $0xFFFF  }
0x29: {  	s6 =	rddreg [dreg:$0x5]  }
0x2a: {  	s2 =	rddreg [dreg:$0xe]  }
0x2b: {  	s7 =	rddreg [dreg:$0x11]  }
0x2c: {  	[hbm:s2], [sflag:s6] =	dma.local [spmem:s7], $0x2800  }
0x2d: {  	_ =	swait.ge [sflag:s23], $0x2800  }
0x2e: {  	s25 =	rddreg [dreg:$0x12]  }
0x2f: {  	s26 =	rddreg [dreg:$0xf];
	s7 =	sadd.s32 $0x1, s25  }
0x30: {  	p0 =	sne.s32 s7, s26  }
.Ltmp1:
0x31: {  	_ = 	snop;
	(pc) =	sbr.rel @!p0 .LBB2_5-.Ltmp1, $3  }
0x32: {  	_ =	sdelay $0x1  }
0x33: {  	[sflag:s23] =	ssyncset.done $0x0  }
0x34: {  	[sflag:s23] =	ssyncadd.s32 $0xFFFFD800  }
.LBB2_1:
0x35: {  	[dreg:$0x12] =	wrdreg s7  }
0x36: {  	s2 =	rddreg [dreg:$0x4]  }
0x37: {  	s26 =	rddreg [dreg:$0x10]  }
0x38: {  	[spmem:s26], [sflag:s6] =	dma.local [hbm:s2], $0x2880  }
0x39: {  	_ =	swait.ge [sflag:s23], $0x2880  }
0x3a: {  	[sflag:s23] =	ssyncset.done $0x0  }
0x3b: {  	[sflag:s23] =	ssyncadd.s32 $0xFFFFD780  }
0x3c: {  	[bflag:$0x0] =	sbarrier.arrive $0xFFFF  }
0x3d: {  	s7 =	rddreg [dreg:$0x6]  }
0x3e: {  	[tilespmem:s3], [sflag:$0x1] =	stream.linear.gather [hbm4b:s7+s3], $0x40, $0x38;
	[tilespmem:$0x1C800] =	vst v63  }
0x3f: {  	s8 =	rddreg [dreg:$0x7]  }
0x40: {  	[tilespmem:s24], [sflag:$0x1] =	stream.linear.gather [hbm4b:s8+s3], $0x40, $0x38;
	[tilespmem:$0x1C800] =	vst v63  }
0x41: {  	s6 =	simm.s32 $0x80;
	s9 =	rddreg [dreg:$0x8]  }
0x42: {  	[tilespmem:s6], [sflag:$0x2] =	stream.linear.gather [hbm4b:s9+s3], $0x40, $0x38;
	[tilespmem:$0x1C800] =	vst v63  }
0x43: {  	s25 =	simm.s32 $0x280;
	s22 =	rddreg [dreg:$0x9]  }
0x44: {  	[tilespmem:s25], [sflag:$0x2] =	stream.linear.gather [hbm4b:s22+s3], $0x40, $0x38;
	[tilespmem:$0x1C800] =	vst v63  }
0x45: {  	s26 =	rddreg [dreg:$0xa]  }
0x46: {  	[tilespmem:s29], [sflag:$0x3] =	stream.linear.gather [hbm4b:s26+s3], $0x40, $0x38;
	[tilespmem:$0x1C800] =	vst v63  }
0x47: {  	s7 =	rddreg [dreg:$0xb]  }
0x48: {  	[tilespmem:s30], [sflag:$0x3] =	stream.linear.gather [hbm4b:s7+s3], $0x40, $0x38;
	[tilespmem:$0x1C800] =	vst v63  }
0x49: {  	s8 =	rddreg [dreg:$0xc]  }
0x4a: {  	[tilespmem:s31], [sflag:$0x4] =	stream.linear.gather [hbm4b:s8+s3], $0x40, $0x38;
	[tilespmem:$0x1C800] =	vst v63  }
0x4b: {  	s9 =	rddreg [dreg:$0xd];
	s22 =	simm.s32 $0x1  }
0x4c: {  	[tilespmem:s0], [sflag:$0x4] =	stream.linear.gather [hbm4b:s9+s3], $0x40, $0x38;
	[tilespmem:$0x1C800] =	vst v63  }
0x4d: {  	_ =	swait.ge [sflag:s22], $0x40  }
0x4e: {  	[sflag:s22] =	ssyncset.done $0x0  }
0x4f: {  	[sflag:s22] =	ssyncadd.s32 $0xFFFFFFC0  }
0x50: {  	_ =	swait.ge [sflag:s22], $0x40  }
0x51: {  	[sflag:s22] =	ssyncset.done $0x0  }
0x52: {  	s25 =	simm.s32 $0x2;
	[sflag:s22] =	ssyncadd.s32 $0xFFFFFFC0  }
0x53: {  	[tilespmem:s5], [sflag:$0x5] =	stream.indirect.gather [hbm4b:s4+s28], $0x80, s3, s28, $0xb8;
	[tilespmem:$0x1C800] =	vst v63  }
0x54: {  	_ =	swait.ge [sflag:s25], $0x40  }
0x55: {  	[sflag:s25] =	ssyncset.done $0x0  }
0x56: {  	[sflag:s25] =	ssyncadd.s32 $0xFFFFFFC0  }
0x57: {  	_ =	swait.ge [sflag:s25], $0x40  }
0x58: {  	[sflag:s25] =	ssyncset.done $0x0  }
0x59: {  	s26 =	simm.s32 $0x2400;
	[sflag:s25] =	ssyncadd.s32 $0xFFFFFFC0  }
0x5a: {  	[tilespmem:s26], [sflag:$0x6] =	stream.indirect.gather [hbm4b:s4+s28], $0x80, s6, s28, $0xb8;
	[tilespmem:$0x1C800] =	vst v63  }
0x5b: {  	_ =	swait.ge [sflag:s10], $0x40  }
0x5c: {  	[sflag:s10] =	ssyncset.done $0x0  }
0x5d: {  	[sflag:s10] =	ssyncadd.s32 $0xFFFFFFC0  }
0x5e: {  	_ =	swait.ge [sflag:s10], $0x40  }
0x5f: {  	[sflag:s10] =	ssyncset.done $0x0  }
0x60: {  	s8 =	simm.s32 $0x0;
	[sflag:s10] =	ssyncadd.s32 $0xFFFFFFC0  }
0x61: {  	[tilespmem:s11], [sflag:$0x7] =	stream.indirect.gather [hbm4b:s4+s28], $0x80, s29, s28, $0xb8;
	[tilespmem:$0x1C800] =	vst v63  }
.LBB2_2:
0x62: {  	_ =	swait.ge [sflag:s12], $0x40  }
0x63: {  	[sflag:s12] =	ssyncset.done $0x0  }
0x64: {  	[sflag:s12] =	ssyncadd.s32 $0xFFFFFFC0  }
0x65: {  	_ =	swait.ge [sflag:s12], $0x40  }
0x66: {  	[sflag:s12] =	ssyncset.done $0x0  }
0x67: {  	[sflag:s12] =	ssyncadd.s32 $0xFFFFFFC0  }
0x68: {  	[tilespmem:s13], [sflag:$0x8] =	stream.indirect.gather [hbm4b:s4+s28], $0x80, s31, s28, $0xb8;
	[tilespmem:$0x1C800] =	vst v63  }
0x69: {  	_ =	swait.ge [sflag:s14], $0x2000  }
0x6a: {  	[sflag:s14] =	ssyncset.done $0x0  }
0x6b: {  	[sflag:s14] =	ssyncadd.s32 $0xFFFFE000  }
0x6c: {  	[spmem:s1] =	stream.indirect.scatter.add.f32 [tilespmem:s5], [sflag:$0x9], $0x80, s24, s28, $0xb8;
	[tilespmem:$0x1C800] =	vst v63  }
0x6d: {  	_ =	swait.ge [sflag:s23], $0x2000  }
0x6e: {  	p0 =	seq.s32 s8, $0x9E0;
	[sflag:s23] =	ssyncset.done $0x0  }
0x6f: {  	s22 =	simm.s32 @p0 $0x6;
	[sflag:s23] =	ssyncadd.s32 $0xFFFFE000  }
0x70: {  	_ =	swait.ge @p0 [sflag:s22], $0x2000  }
0x71: {  	s26 =	simm.s32 @p0 $0x280;
	[sflag:s22] =	ssyncset.done @p0 $0x0  }
0x72: {  	s25 =	simm.s32 @p0 $0x2400;
	[sflag:s22] =	ssyncadd.s32 @p0 $0xFFFFE000;
	s22 =	simm.s32 @p0 $0x40  }
0x73: {  	[spmem:s1] =	stream.indirect.scatter.add.f32 @p0 [tilespmem:s25], [sflag:$0x9], $0x80, s26, s22, $0xb8;
	[tilespmem:$0x1C800] =	vst v63  }
0x74: {  	s22 =	simm.s32 @p0 $0x9  }
0x75: {  	_ =	swait.ge @p0 [sflag:s22], $0x2000  }
0x76: {  	[sflag:s22] =	ssyncset.done @p0 $0x0  }
0x77: {  	s25 =	simm.s32 @!p0 $0x0;
	[sflag:s22] =	ssyncadd.s32 @p0 $0xFFFFE000;
	s22 =	sadd.s32 @!p0 s8, s18  }
0x78: {  	[tilespmem:s25], [sflag:$0x1] =	stream.linear.gather @!p0 [hbm4b:s22+s25], $0x40, $0x38;
	[tilespmem:$0x1C800] =	vst v63  }
0x79: {  	s22 =	sadd.s32 @!p0 s8, s17  }
0x7a: {  	s6 =	simm.s32 @!p0 $0x200;
	s26 =	sadd.s32 @!p0 $0x20, s22  }
0x7b: {  	[tilespmem:s6], [sflag:$0x1] =	stream.linear.gather @!p0 [hbm4b:s26+s25], $0x40, $0x38;
	[tilespmem:$0x1C800] =	vst v63  }
0x7c: {  	s6 =	simm.s32 @!p0 $0x1  }
0x7d: {  	_ =	swait.ge @!p0 [sflag:s6], $0x40  }
0x7e: {  	[sflag:s6] =	ssyncset.done @!p0 $0x0  }
0x7f: {  	[sflag:s6] =	ssyncadd.s32 @!p0 $0xFFFFFFC0  }
0x80: {  	_ =	swait.ge @!p0 [sflag:s6], $0x40  }
0x81: {  	[sflag:s6] =	ssyncset.done @!p0 $0x0  }
0x82: {  	s26 =	simm.s32 @!p0 $0x400;
	[sflag:s6] =	ssyncadd.s32 @!p0 $0xFFFFFFC0;
	s6 =	simm.s32 @!p0 $0x40  }
0x83: {  	[tilespmem:s26], [sflag:$0x5] =	stream.indirect.gather @!p0 [hbm4b:s4+s6], $0x80, s25, s6, $0xb8;
	[tilespmem:$0x1C800] =	vst v63  }
0x84: {  	s26 =	simm.s32 @!p0 $0x6  }
0x85: {  	_ =	swait.ge @!p0 [sflag:s26], $0x2000  }
0x86: {  	s2 =	simm.s32 @!p0 $0x2400;
	[sflag:s26] =	ssyncset.done @!p0 $0x0  }
0x87: {  	s9 =	simm.s32 @!p0 $0x9;
	[sflag:s26] =	ssyncadd.s32 @!p0 $0xFFFFE000;
	s26 =	simm.s32 @!p0 $0x280  }
0x88: {  	[spmem:s1] =	stream.indirect.scatter.add.f32 @!p0 [tilespmem:s2], [sflag:$0x9], $0x80, s26, s6, $0xb8;
	[tilespmem:$0x1C800] =	vst v63  }
0x89: {  	_ =	swait.ge @!p0 [sflag:s9], $0x2000  }
0x8a: {  	[sflag:s9] =	ssyncset.done @!p0 $0x0  }
0x8b: {  	s7 =	simm.s32 @!p0 $0x80;
	[sflag:s9] =	ssyncadd.s32 @!p0 $0xFFFFE000;
	s9 =	sadd.s32 @!p0 s8, s19  }
0x8c: {  	[tilespmem:s7], [sflag:$0x2] =	stream.linear.gather @!p0 [hbm4b:s9+s25], $0x40, $0x38;
	[tilespmem:$0x1C800] =	vst v63  }
0x8d: {  	s9 =	sadd.s32 @!p0 $0x28, s22  }
0x8e: {  	[tilespmem:s26], [sflag:$0x2] =	stream.linear.gather @!p0 [hbm4b:s9+s25], $0x40, $0x38;
	[tilespmem:$0x1C800] =	vst v63  }
0x8f: {  	s9 =	simm.s32 @!p0 $0x2  }
0x90: {  	_ =	swait.ge @!p0 [sflag:s9], $0x40  }
0x91: {  	[sflag:s9] =	ssyncset.done @!p0 $0x0  }
0x92: {  	[sflag:s9] =	ssyncadd.s32 @!p0 $0xFFFFFFC0  }
0x93: {  	_ =	swait.ge @!p0 [sflag:s9], $0x40  }
0x94: {  	[sflag:s9] =	ssyncset.done @!p0 $0x0  }
0x95: {  	[sflag:s9] =	ssyncadd.s32 @!p0 $0xFFFFFFC0  }
0x96: {  	[tilespmem:s2], [sflag:$0x6] =	stream.indirect.gather @!p0 [hbm4b:s4+s6], $0x80, s7, s6, $0xb8;
	[tilespmem:$0x1C800] =	vst v63  }
0x97: {  	_ =	swait.ge [sflag:s15], $0x2000  }
0x98: {  	[sflag:s15] =	ssyncset.done $0x0  }
.Ltmp2:
0x99: {  	[sflag:s15] =	ssyncadd.s32 $0xFFFFE000;
	(pc) =	sbr.rel @p0 .LBB2_4-.Ltmp2, $4  }
0x9a: {  	[spmem:s1] =	stream.indirect.scatter.add.f32 [tilespmem:s11], [sflag:$0x9], $0x80, s30, s28, $0xb8;
	[tilespmem:$0x1C800] =	vst v63  }
0x9b: {  	_ =	swait.ge [sflag:s23], $0x2000  }
0x9c: {  	[sflag:s23] =	ssyncset.done $0x0  }
0x9d: {  	[sflag:s23] =	ssyncadd.s32 $0xFFFFE000  }
0x9e: {  	s2 =	sadd.s32 s8, s20;
	s25 =	sadd.s32 s8, s17  }
0x9f: {  	[tilespmem:s29], [sflag:$0x3] =	stream.linear.gather [hbm4b:s2+s3], $0x40, $0x38;
	[tilespmem:$0x1C800] =	vst v63  }
0xa0: {  	s6 =	sadd.s32 $0x30, s25  }
0xa1: {  	[tilespmem:s30], [sflag:$0x3] =	stream.linear.gather [hbm4b:s6+s3], $0x40, $0x38;
	[tilespmem:$0x1C800] =	vst v63  }
0xa2: {  	_ =	swait.ge [sflag:s10], $0x40  }
0xa3: {  	[sflag:s10] =	ssyncset.done $0x0  }
0xa4: {  	[sflag:s10] =	ssyncadd.s32 $0xFFFFFFC0  }
0xa5: {  	_ =	swait.ge [sflag:s10], $0x40  }
0xa6: {  	[sflag:s10] =	ssyncset.done $0x0  }
0xa7: {  	[sflag:s10] =	ssyncadd.s32 $0xFFFFFFC0  }
0xa8: {  	[tilespmem:s11], [sflag:$0x7] =	stream.indirect.gather [hbm4b:s4+s28], $0x80, s29, s28, $0xb8;
	[tilespmem:$0x1C800] =	vst v63  }
0xa9: {  	_ =	swait.ge [sflag:s16], $0x2000  }
0xaa: {  	[sflag:s16] =	ssyncset.done $0x0  }
0xab: {  	[sflag:s16] =	ssyncadd.s32 $0xFFFFE000  }
0xac: {  	[spmem:s1] =	stream.indirect.scatter.add.f32 [tilespmem:s13], [sflag:$0x9], $0x80, s0, s28, $0xb8;
	[tilespmem:$0x1C800] =	vst v63  }
0xad: {  	_ =	swait.ge [sflag:s23], $0x2000  }
.Ltmp3:
0xae: {  	[sflag:s23] =	ssyncset.done $0x0;
	(pc) =	sbr.rel .LBB2_2-.Ltmp3, $4  }
0xaf: {  	s26 =	sadd.s32 s8, s21;
	[sflag:s23] =	ssyncadd.s32 $0xFFFFE000  }
0xb0: {  	[tilespmem:s31], [sflag:$0x4] =	stream.linear.gather [hbm4b:s26+s3], $0x40, $0x38;
	[tilespmem:$0x1C800] =	vst v63  }
0xb1: {  	s8 =	sadd.s32 $0x20, s8;
	s2 =	sadd.s32 $0x38, s25  }
0xb2: {  	[tilespmem:s0], [sflag:$0x4] =	stream.linear.gather [hbm4b:s2+s3], $0x40, $0x38;
	[tilespmem:$0x1C800] =	vst v63  }
.LBB2_5:
0xb3: {  	_ =	sfence.sel $0x180000  }
0xb4: {  	[bflag:$0x0] =	sbarrier.arrive $0xFFFF  }
0xb5: {  	_ =	strace $0x9000004A  }
0xb6: {  	s0 =	stileid.u32;
	[bflag:$0x2] =	sbarrier.arrive $0xFFFF  }
0xb7: {  	p0 =	sne.s32 s0, $0x0;
	s0 =	rddreg [dreg:$0x3]  }
0xb8: {  	s0 =	sadd.s32 @!p0 $0x100000, s0  }
0xb9: {  	[sflag:s0] =	ssyncadd.tile.s32 @!p0 $0x1;
	_ =	shalt  }
.Lfunc_end2:
_tile_overlayer_lowered:
.L_overlay_start_2:
0xba: {  	(tag) =	ssettag $0x2  }
0xbb: {  	s0 =	rddreg [dreg:$0x0];
	s2 =	stileid.u32  }
0xbc: {  	s1 =	rddreg [dreg:$0x1];
	p0 =	sne.s32 s2, $0x0  }
0xbd: {  	s3 =	rddreg [dreg:$0x2];
	[bflag:$0x3] =	sbarrier.arrive $0xFFFF;
	s2 =	simm.s32 @!p0 $0x1C09  }
0xbe: {  	[timem:s3], [sflag:s2] =	dma.local @!p0 [hbm:s0], s1  }
0xbf: {  	s0 =	simm.s32 @!p0 $0x9  }
0xc0: {  	_ =	swait.ge @!p0 [sflag:s0], s1  }
0xc1: {  	s1 =	ssub.s32 @!p0 $0x0, s1;
	[sflag:s0] =	ssyncset.done @!p0 $0x0  }
0xc2: {  	[sflag:s0] =	ssyncadd.s32 @!p0 s1  }
0xc3: {  	[bflag:$0x3] =	sbarrier.arrive $0xFFFF  }
0xc4: {  	_ =	shalt  }

</sc_bundles>
